<compile_context>
chip_gen: v7x
topology: tpu7x:2x2x1
jax: 0.10.2.dev20260603
libtpu: 0.0.44.dev20260713+nightly
codegen_flags: <defaults>
</compile_context>

<pallas_src>
import functools

import jax
import jax.numpy as jnp
from jax import lax
from jax.experimental import pallas as pl
from jax.experimental.pallas import tpu as pltpu
from jax.experimental.pallas import tpu_sc as plsc

NC = 2
NS = 16
CH = 80


def _sc_segsum(x, src3, dst, zeros, n, d, nchunk):
    npair = (nchunk - 1) // 2
    nrem = nchunk - 2 * npair
    rows_pt = (n // (8 * NS)) * 8
    tail = n - rows_pt * NS

    mesh = plsc.VectorSubcoreMesh(core_axis_name="c", subcore_axis_name="s")

    @functools.partial(
        pl.kernel,
        out_type=jax.ShapeDtypeStruct((NC, n, d), jnp.float32),
        mesh=mesh,
        scratch_types=[
            pltpu.VMEM_SHARED((n + 16, d), jnp.float32),
            pltpu.VMEM((nchunk, CH), jnp.int32),
            pltpu.VMEM((CH,), jnp.int32),
            pltpu.VMEM((CH,), jnp.int32),
            pltpu.VMEM((CH, d), jnp.float32),
            pltpu.VMEM((CH, d), jnp.float32),
            pltpu.SemaphoreType.DMA,
            pltpu.SemaphoreType.DMA,
            pltpu.SemaphoreType.DMA,
            pltpu.SemaphoreType.DMA,
        ],
    )
    def k(x_hbm, src_hbm, dst_hbm, zeros_hbm, out_hbm, agg_sh, src_v,
          dstc_a, dstc_b, rows_a, rows_b, sem_a, sem_b, sem_da, sem_db):
        c = lax.axis_index("c")
        s = lax.axis_index("s")
        wid = c * NS + s
        epw = nchunk * CH
        base0 = wid * epw
        r0 = pl.multiple_of(s * rows_pt, 8)
        idx_s = pltpu.async_copy(src_hbm.at[wid], src_v, sem_a)
        pltpu.sync_copy(zeros_hbm.at[pl.ds(r0, rows_pt)],
                        agg_sh.at[pl.ds(r0, rows_pt)])
        if tail:
            @pl.when(s == NS - 1)
            def _():
                t0 = NS * rows_pt
                pltpu.sync_copy(zeros_hbm.at[pl.ds(t0, tail)],
                                agg_sh.at[pl.ds(t0, tail)])
        idx_s.wait()
        plsc.subcore_barrier()

        last = nchunk - 1

        def gather(chunk, rows, sem):
            pltpu.async_copy(x_hbm.at[src_v.at[chunk]], rows, sem)

        def gwait(rows, sem):
            pltpu.make_async_copy(x_hbm.at[src_v.at[0]], rows, sem).wait()

        def dload(chunk, dstc, sem):
            b = pl.multiple_of(base0 + chunk * CH, 8)
            pltpu.async_copy(dst_hbm.at[pl.ds(b, CH)], dstc, sem)

        def dwait(dstc, sem):
            pltpu.make_async_copy(dst_hbm.at[pl.ds(0, CH)], dstc, sem).wait()

        def scatter(dstc, rows):
            pltpu.sync_copy(rows, agg_sh.at[dstc], add=True)

        gather(0, rows_a, sem_a)
        gather(1, rows_b, sem_b)
        dload(0, dstc_a, sem_da)
        dload(1, dstc_b, sem_db)

        def step(j, carry):
            ca = 2 * j
            gwait(rows_a, sem_a)
            dwait(dstc_a, sem_da)
            scatter(dstc_a, rows_a)
            gather(jnp.minimum(ca + 2, last), rows_a, sem_a)
            dload(jnp.minimum(ca + 2, last), dstc_a, sem_da)
            gwait(rows_b, sem_b)
            dwait(dstc_b, sem_db)
            scatter(dstc_b, rows_b)
            gather(jnp.minimum(ca + 3, last), rows_b, sem_b)
            dload(jnp.minimum(ca + 3, last), dstc_b, sem_db)
            return carry

        lax.fori_loop(0, npair, step, 0)
        gwait(rows_a, sem_a)
        dwait(dstc_a, sem_da)
        if nrem == 1:
            scatter(dstc_a, rows_a)
        gwait(rows_b, sem_b)
        dwait(dstc_b, sem_db)
        if nrem == 2:
            scatter(dstc_a, rows_a)
            scatter(dstc_b, rows_b)
        plsc.subcore_barrier()
        pltpu.sync_copy(agg_sh.at[pl.ds(r0, rows_pt)],
                        out_hbm.at[c, pl.ds(r0, rows_pt)])
        if tail:
            @pl.when(s == NS - 1)
            def _():
                t0 = NS * rows_pt
                pltpu.sync_copy(agg_sh.at[pl.ds(t0, tail)],
                                out_hbm.at[c, pl.ds(t0, tail)])

    return k(x, src3, dst, zeros)


def _tc_gin_layer(x, agg, w1, b1, w2, b2, eps, *, final_relu, blk, n, d):
    nblk = n // blk

    def body(eps_ref, x_ref, a0_ref, a1_ref, w1_ref, b1_ref, w2_ref, b2_ref,
             o_ref):
        z = (1.0 + eps_ref[0]) * x_ref[...] + a0_ref[0] + a1_ref[0]
        t = jnp.dot(z, w1_ref[...], preferred_element_type=jnp.float32)
        t = jnp.maximum(t + b1_ref[...], 0.0)
        h = jnp.dot(t, w2_ref[...], preferred_element_type=jnp.float32)
        h = h + b2_ref[...]
        if final_relu:
            h = jnp.maximum(h, 0.0)
        o_ref[...] = h

    wspec = pl.BlockSpec((d, d), lambda i: (0, 0))
    bspec = pl.BlockSpec((1, d), lambda i: (0, 0))
    return pl.pallas_call(
        functools.partial(body),
        grid=(nblk,),
        in_specs=[
            pl.BlockSpec(memory_space=pltpu.SMEM),
            pl.BlockSpec((blk, d), lambda i: (i, 0)),
            pl.BlockSpec((1, blk, d), lambda i: (0, i, 0)),
            pl.BlockSpec((1, blk, d), lambda i: (1, i, 0)),
            wspec, bspec, wspec, bspec,
        ],
        out_specs=pl.BlockSpec((blk, d), lambda i: (i, 0)),
        out_shape=jax.ShapeDtypeStruct((n, d), jnp.float32),
        compiler_params=pltpu.CompilerParams(
            dimension_semantics=("arbitrary",)),
    )(eps.reshape(1), x, agg, agg, w1, b1.reshape(1, d), w2,
      b2.reshape(1, d))


def _tc_gin_pool(x, agg, batch3, w1, b1, w2, b2, eps, *, blk, n, d, g):
    nblk = n // blk

    def body(eps_ref, x_ref, a0_ref, a1_ref, w1_ref, b1_ref, w2_ref, b2_ref,
             batch_ref, pooled_ref, sig_ref, sums_scr, counts_scr):
        i = pl.program_id(0)
        z = (1.0 + eps_ref[0]) * x_ref[...] + a0_ref[0] + a1_ref[0]
        t = jnp.dot(z, w1_ref[...], preferred_element_type=jnp.float32)
        t = jnp.maximum(t + b1_ref[...], 0.0)
        h = jnp.dot(t, w2_ref[...], preferred_element_type=jnp.float32)
        h = h + b2_ref[...]
        seg = batch_ref[0, 0, :].reshape(blk, 1)
        ids = lax.broadcasted_iota(jnp.int32, (1, g), 1)
        onehot = (seg == ids).astype(jnp.float32)
        ps = lax.dot_general(onehot, h, (((0,), (0,)), ((), ())),
                             preferred_element_type=jnp.float32)
        pc = jnp.sum(onehot, axis=0).reshape(g, 1)

        @pl.when(i == 0)
        def _():
            sums_scr[...] = ps
            counts_scr[...] = pc

        @pl.when(i > 0)
        def _():
            sums_scr[...] += ps
            counts_scr[...] += pc

        @pl.when(i == nblk - 1)
        def _():
            pooled = sums_scr[...] / jnp.maximum(counts_scr[...], 1.0)
            pooled_ref[...] = pooled
            sig_ref[...] = jax.nn.sigmoid(pooled)

    wspec = pl.BlockSpec((d, d), lambda i: (0, 0))
    bspec = pl.BlockSpec((1, d), lambda i: (0, 0))
    gspec = pl.BlockSpec((g, d), lambda i: (0, 0))
    return pl.pallas_call(
        body,
        grid=(nblk,),
        in_specs=[
            pl.BlockSpec(memory_space=pltpu.SMEM),
            pl.BlockSpec((blk, d), lambda i: (i, 0)),
            pl.BlockSpec((1, blk, d), lambda i: (0, i, 0)),
            pl.BlockSpec((1, blk, d), lambda i: (1, i, 0)),
            wspec, bspec, wspec, bspec,
            pl.BlockSpec((1, 1, blk), lambda i: (i, 0, 0)),
        ],
        out_specs=[gspec, gspec],
        out_shape=[jax.ShapeDtypeStruct((g, d), jnp.float32),
                   jax.ShapeDtypeStruct((g, d), jnp.float32)],
        scratch_shapes=[pltpu.VMEM((g, d), jnp.float32),
                        pltpu.VMEM((g, 1), jnp.float32)],
        compiler_params=pltpu.CompilerParams(
            dimension_semantics=("arbitrary",)),
    )(eps.reshape(1), x, agg, agg, w1, b1.reshape(1, d), w2,
      b2.reshape(1, d), batch3)


def kernel(v, edges, batch, W1a, b1a, W2a, b2a, eps1, W1b, b1b, W2b, b2b,
           eps2):
    n, d = v.shape
    e = edges.shape[1]
    g = 256
    blk = 2000

    nw = NC * NS
    epw = e // nw
    nchunk = -(-epw // CH)
    padpt = nchunk * CH - epw
    src2 = edges[0].reshape(nw, epw)
    dst2 = edges[1].reshape(nw, epw)
    if padpt:
        src2 = jnp.concatenate(
            [src2, jnp.zeros((nw, padpt), jnp.int32)], axis=1)
        gwrow = (n + (jnp.arange(nw, dtype=jnp.int32) % 16))[:, None]
        dst2 = jnp.concatenate(
            [dst2, jnp.broadcast_to(gwrow, (nw, padpt))], axis=1)
    src3 = src2.reshape(nw, nchunk, CH)
    dst = dst2.reshape(nw * nchunk * CH)
    zeros = jnp.zeros((n, d), jnp.float32)
    batch3 = batch.reshape(n // blk, 1, blk)

    agg1 = _sc_segsum(v, src3, dst, zeros, n, d, nchunk)
    x1 = _tc_gin_layer(v, agg1, W1a, b1a, W2a, b2a, eps1,
                       final_relu=True, blk=blk, n=n, d=d)
    agg2 = _sc_segsum(x1, src3, dst, zeros, n, d, nchunk)
    pooled, sig = _tc_gin_pool(x1, agg2, batch3, W1b, b1b, W2b, b2b, eps2,
                               blk=blk, n=n, d=d, g=g)
    return (pooled, sig)

# --- scband reference (transcript-rebuilt; emitter-appended) ---
"""Pipeline reference for scband-molecule-property-classifier-73735998537833 (READ-ONLY COPY).

The authoritative reference and input builder live on the scoring server;
editing this copy changes nothing except your own understanding.
"""

import jax, jax.numpy as jnp
import numpy as np

N = 10000
E = 320000
D = 128
G = 256


def setup_inputs(seed: int = 0) -> dict:
    key = jax.random.key(seed)
    ks = jax.random.split(key, 16)
    v = jax.random.normal(ks[0], (N, D), dtype=jnp.float32)
    edges = jax.random.randint(ks[1], (2, E), 0, N, dtype=jnp.int32)
    batch = jnp.sort(jax.random.randint(ks[2], (N,), 0, G, dtype=jnp.int32))
    s = 1.0 / np.sqrt(D)
    # GIN layer 1 MLP params + eps
    W1a = jax.random.normal(ks[3], (D, D), dtype=jnp.float32) * s
    b1a = jnp.zeros((D,), dtype=jnp.float32)
    W2a = jax.random.normal(ks[4], (D, D), dtype=jnp.float32) * s
    b2a = jnp.zeros((D,), dtype=jnp.float32)
    eps1 = jnp.zeros((), dtype=jnp.float32)
    # GIN layer 2 MLP params + eps
    W1b = jax.random.normal(ks[5], (D, D), dtype=jnp.float32) * s
    b1b = jnp.zeros((D,), dtype=jnp.float32)
    W2b = jax.random.normal(ks[6], (D, D), dtype=jnp.float32) * s
    b2b = jnp.zeros((D,), dtype=jnp.float32)
    eps2 = jnp.zeros((), dtype=jnp.float32)
    return {"v": v, "edges": edges, "batch": batch,
            "W1a": W1a, "b1a": b1a, "W2a": W2a, "b2a": b2a, "eps1": eps1,
            "W1b": W1b, "b1b": b1b, "W2b": W2b, "b2b": b2b, "eps2": eps2}


def _gin_conv(x, edges, W1, b1, W2, b2, eps):
    src = edges[0]
    dst = edges[1]
    agg = jax.ops.segment_sum(x[src], dst, num_segments=N)
    h = (1.0 + eps) * x + agg
    h = jax.nn.relu(h @ W1 + b1)
    h = h @ W2 + b2
    return h


def reference(v, edges, batch, W1a, b1a, W2a, b2a, eps1, W1b, b1b, W2b, b2b, eps2):
    # GraphIsomorphismNetwork: two GINConv layers with ReLU between
    h = _gin_conv(v, edges, W1a, b1a, W2a, b2a, eps1)
    h = jax.nn.relu(h)
    h = _gin_conv(h, edges, W1b, b1b, W2b, b2b, eps2)
    # global_mean_pool over batch segment ids
    sums = jax.ops.segment_sum(h, batch, num_segments=G)
    counts = jax.ops.segment_sum(jnp.ones((N, 1), dtype=jnp.float32), batch, num_segments=G)
    pooled = sums / jnp.maximum(counts, 1.0)
    return (pooled, jax.nn.sigmoid(pooled))

if __name__ == "__main__":
    import jax
    _d = setup_inputs()
    print(jax.jit(kernel)(*tuple(_d.values())))

</pallas_src>

<mosaic_0001>
#map = affine_map<(d0, d1) -> (0, 0)>
#map1 = affine_map<(d0, d1) -> (0, 0, 0)>
#map2 = affine_map<(d0, d1) -> (0)>
module attributes {stable_mosaic.version = 14 : i64} {
  func.func @k(%arg0: i32, %arg1: i32, %arg2: memref<10000x128xf32, #tpu.memory_space<hbm>>, %arg3: memref<32x125x80xi32, #tpu.memory_space<hbm>>, %arg4: memref<320000xi32, #tpu.memory_space<hbm>>, %arg5: memref<10000x128xf32, #tpu.memory_space<hbm>>, %arg6: memref<2x10000x128xf32, #tpu.memory_space<hbm>>, %arg7: memref<10016x128xf32, #tpu.memory_space<vmem_shared>>, %arg8: memref<125x80xi32, #tpu.memory_space<vmem>>, %arg9: memref<80xi32, #tpu.memory_space<vmem>>, %arg10: memref<80xi32, #tpu.memory_space<vmem>>, %arg11: memref<80x128xf32, #tpu.memory_space<vmem>>, %arg12: memref<80x128xf32, #tpu.memory_space<vmem>>, %arg13: memref<!tpu.dma_semaphore, #tpu.memory_space<semaphore_mem>>, %arg14: memref<!tpu.dma_semaphore, #tpu.memory_space<semaphore_mem>>, %arg15: memref<!tpu.dma_semaphore, #tpu.memory_space<semaphore_mem>>, %arg16: memref<!tpu.dma_semaphore, #tpu.memory_space<semaphore_mem>>) attributes {dimension_semantics = [#tpu.dimension_semantics<core_parallel>, #tpu.dimension_semantics<subcore_parallel>], iteration_bounds = array<i64: 2, 16>, scalar_prefetch = 0 : i64, scratch_operands = 10 : i64, tpu.core_type = #tpu.core_type<sc_vector_subcore>, window_params = [{transform_indices = #map}, {transform_indices = #map1}, {transform_indices = #map2}, {transform_indices = #map}, {transform_indices = #map1}]} {
    %mul3A = arith.constant 16 : i32
    %mul3A_0 = arith.muli %arg0, %mul3A : i32
    %add3A = arith.addi %mul3A_0, %arg1 : i32
    %mul3A_1 = arith.constant 10000 : i32
    %mul3A_2 = arith.muli %add3A, %mul3A_1 : i32
    %mul3A_3 = arith.constant 624 : i32
    %mul3A_4 = arith.muli %arg1, %mul3A_3 : i32
    %multiple_of3A = tpu.assume_multiple %mul3A_4, 8 : i32
    %dma_start3A = arith.constant 0 : i32
    %dma_start3A_5 = arith.constant 0 : i32
    %dma_start3A_6 = tpu.memref_slice %arg3[%add3A, %dma_start3A, %dma_start3A_5] : memref<32x125x80xi32, #tpu.memory_space<hbm>> -> memref<1x125x80xi32, #tpu.memory_space<hbm>>
    %dma_start3A_7 = tpu.memref_squeeze %dma_start3A_6 : memref<1x125x80xi32, #tpu.memory_space<hbm>> -> memref<125x80xi32, #tpu.memory_space<hbm>>
    %dma_start3A_8 = arith.constant 0 : i32
    %dma_start3A_9 = arith.constant 0 : i32
    %dma_start3A_10 = tpu.memref_slice %arg3[%add3A, %dma_start3A_8, %dma_start3A_9] : memref<32x125x80xi32, #tpu.memory_space<hbm>> -> memref<1x125x80xi32, #tpu.memory_space<hbm>>
    %dma_start3A_11 = tpu.memref_squeeze %dma_start3A_10 : memref<1x125x80xi32, #tpu.memory_space<hbm>> -> memref<125x80xi32, #tpu.memory_space<hbm>>
    tpu.enqueue_dma source(%dma_start3A_11 : memref<125x80xi32, #tpu.memory_space<hbm>>) target(%arg8 : memref<125x80xi32, #tpu.memory_space<vmem>>) target_semaphore(%arg13 : memref<!tpu.dma_semaphore, #tpu.memory_space<semaphore_mem>>)
    "tpu.region"() ({
      %run_scoped3A = tpu.sem_alloc : memref<!tpu.dma_semaphore, #tpu.memory_space<semaphore_mem>>
      %dma_start3A_78 = arith.constant 0 : i32
      %dma_start3A_79 = tpu.memref_slice %arg7[%multiple_of3A, %dma_start3A_78] : memref<10016x128xf32, #tpu.memory_space<vmem_shared>> -> memref<624x128xf32, #tpu.memory_space<vmem_shared>>
      %dma_start3A_80 = arith.constant 0 : i32
      %dma_start3A_81 = tpu.memref_slice %arg5[%multiple_of3A, %dma_start3A_80] : memref<10000x128xf32, #tpu.memory_space<hbm>> -> memref<624x128xf32, #tpu.memory_space<hbm>>
      tpu.enqueue_dma source(%dma_start3A_81 : memref<624x128xf32, #tpu.memory_space<hbm>>) target(%dma_start3A_79 : memref<624x128xf32, #tpu.memory_space<vmem_shared>>) target_semaphore(%run_scoped3A : memref<!tpu.dma_semaphore, #tpu.memory_space<semaphore_mem>>)
      %dma_wait3A_82 = arith.constant 0 : i32
      %dma_wait3A_83 = tpu.memref_slice %arg7[%multiple_of3A, %dma_wait3A_82] : memref<10016x128xf32, #tpu.memory_space<vmem_shared>> -> memref<624x128xf32, #tpu.memory_space<vmem_shared>>
      %dma_wait3A_84 = arith.constant 0 : i32
      %dma_wait3A_85 = tpu.memref_slice %arg5[%multiple_of3A, %dma_wait3A_84] : memref<10000x128xf32, #tpu.memory_space<hbm>> -> memref<624x128xf32, #tpu.memory_space<hbm>>
      tpu.wait_dma2 semaphore(%run_scoped3A : memref<!tpu.dma_semaphore, #tpu.memory_space<semaphore_mem>>) src(%dma_wait3A_85 : memref<624x128xf32, #tpu.memory_space<hbm>>) dst(%dma_wait3A_83 : memref<624x128xf32, #tpu.memory_space<vmem_shared>>)
      tpu.yield
    }) : () -> ()
    %eq3A = arith.constant 15 : i32
    %eq3A_12 = arith.cmpi eq, %arg1, %eq3A : i32
    %convert_element_type3A = arith.extui %eq3A_12 : i1 to i32
    %cond3A = arith.constant 0 : i32
    %cond3A_13 = arith.cmpi ne, %convert_element_type3A, %cond3A : i32
    scf.if %cond3A_13 {
      "tpu.region"() ({
        %run_scoped3A = tpu.sem_alloc : memref<!tpu.dma_semaphore, #tpu.memory_space<semaphore_mem>>
        %dma_start3A_78 = arith.constant 9984 : i32
        %dma_start3A_79 = arith.constant 0 : i32
        %dma_start3A_80 = tpu.memref_slice %arg7[%dma_start3A_78, %dma_start3A_79] : memref<10016x128xf32, #tpu.memory_space<vmem_shared>> -> memref<16x128xf32, #tpu.memory_space<vmem_shared>>
        %dma_start3A_81 = arith.constant 9984 : i32
        %dma_start3A_82 = arith.constant 0 : i32
        %dma_start3A_83 = tpu.memref_slice %arg5[%dma_start3A_81, %dma_start3A_82] : memref<10000x128xf32, #tpu.memory_space<hbm>> -> memref<16x128xf32, #tpu.memory_space<hbm>>
        tpu.enqueue_dma source(%dma_start3A_83 : memref<16x128xf32, #tpu.memory_space<hbm>>) target(%dma_start3A_80 : memref<16x128xf32, #tpu.memory_space<vmem_shared>>) target_semaphore(%run_scoped3A : memref<!tpu.dma_semaphore, #tpu.memory_space<semaphore_mem>>)
        %dma_wait3A_84 = arith.constant 9984 : i32
        %dma_wait3A_85 = arith.constant 0 : i32
        %dma_wait3A_86 = tpu.memref_slice %arg7[%dma_wait3A_84, %dma_wait3A_85] : memref<10016x128xf32, #tpu.memory_space<vmem_shared>> -> memref<16x128xf32, #tpu.memory_space<vmem_shared>>
        %dma_wait3A_87 = arith.constant 9984 : i32
        %dma_wait3A_88 = arith.constant 0 : i32
        %dma_wait3A_89 = tpu.memref_slice %arg5[%dma_wait3A_87, %dma_wait3A_88] : memref<10000x128xf32, #tpu.memory_space<hbm>> -> memref<16x128xf32, #tpu.memory_space<hbm>>
        tpu.wait_dma2 semaphore(%run_scoped3A : memref<!tpu.dma_semaphore, #tpu.memory_space<semaphore_mem>>) src(%dma_wait3A_89 : memref<16x128xf32, #tpu.memory_space<hbm>>) dst(%dma_wait3A_86 : memref<16x128xf32, #tpu.memory_space<vmem_shared>>)
        tpu.yield
      }) : () -> ()
    } else {
    }
    %dma_wait3A = arith.constant 0 : i32
    %dma_wait3A_14 = arith.constant 0 : i32
    %dma_wait3A_15 = tpu.memref_slice %arg3[%add3A, %dma_wait3A, %dma_wait3A_14] : memref<32x125x80xi32, #tpu.memory_space<hbm>> -> memref<1x125x80xi32, #tpu.memory_space<hbm>>
    %dma_wait3A_16 = tpu.memref_squeeze %dma_wait3A_15 : memref<1x125x80xi32, #tpu.memory_space<hbm>> -> memref<125x80xi32, #tpu.memory_space<hbm>>
    %dma_wait3A_17 = arith.constant 0 : i32
    %dma_wait3A_18 = arith.constant 0 : i32
    %dma_wait3A_19 = tpu.memref_slice %arg3[%add3A, %dma_wait3A_17, %dma_wait3A_18] : memref<32x125x80xi32, #tpu.memory_space<hbm>> -> memref<1x125x80xi32, #tpu.memory_space<hbm>>
    %dma_wait3A_20 = tpu.memref_squeeze %dma_wait3A_19 : memref<1x125x80xi32, #tpu.memory_space<hbm>> -> memref<125x80xi32, #tpu.memory_space<hbm>>
    tpu.wait_dma2 semaphore(%arg13 : memref<!tpu.dma_semaphore, #tpu.memory_space<semaphore_mem>>) src(%dma_wait3A_20 : memref<125x80xi32, #tpu.memory_space<hbm>>) dst(%arg8 : memref<125x80xi32, #tpu.memory_space<vmem>>)
    %barrier3A = arith.constant 0 : index
    tpu.barrier barrier_id(%barrier3A)
    %dma_start3A_21 = arith.constant 0 : i32
    %dma_start3A_22 = arith.constant 0 : i32
    %dma_start3A_23 = tpu.memref_slice %arg8[%dma_start3A_21, %dma_start3A_22] : memref<125x80xi32, #tpu.memory_space<vmem>> -> memref<1x80xi32, #tpu.memory_space<vmem>>
    %dma_start3A_24 = tpu.memref_squeeze %dma_start3A_23 : memref<1x80xi32, #tpu.memory_space<vmem>> -> memref<80xi32, #tpu.memory_space<vmem>>
    %dma_start3A_25 = arith.constant 0 : i32
    %dma_start3A_26 = arith.constant 0 : i32
    %dma_start3A_27 = tpu.memref_slice %arg2[%dma_start3A_25, %dma_start3A_26] : memref<10000x128xf32, #tpu.memory_space<hbm>> -> memref<10000x128xf32, #tpu.memory_space<hbm>>
    tpu.enqueue_indirect_dma source(%dma_start3A_27 : memref<10000x128xf32, #tpu.memory_space<hbm>>) target(%arg11 : memref<80x128xf32, #tpu.memory_space<vmem>>) offsets(%dma_start3A_24 : memref<80xi32, #tpu.memory_space<vmem>>) semaphore(%arg13 : memref<!tpu.dma_semaphore, #tpu.memory_space<semaphore_mem>>)
    %dma_start3A_28 = arith.constant 1 : i32
    %dma_start3A_29 = arith.constant 0 : i32
    %dma_start3A_30 = tpu.memref_slice %arg8[%dma_start3A_28, %dma_start3A_29] : memref<125x80xi32, #tpu.memory_space<vmem>> -> memref<1x80xi32, #tpu.memory_space<vmem>>
    %dma_start3A_31 = tpu.memref_squeeze %dma_start3A_30 : memref<1x80xi32, #tpu.memory_space<vmem>> -> memref<80xi32, #tpu.memory_space<vmem>>
    %dma_start3A_32 = arith.constant 0 : i32
    %dma_start3A_33 = arith.constant 0 : i32
    %dma_start3A_34 = tpu.memref_slice %arg2[%dma_start3A_32, %dma_start3A_33] : memref<10000x128xf32, #tpu.memory_space<hbm>> -> memref<10000x128xf32, #tpu.memory_space<hbm>>
    tpu.enqueue_indirect_dma source(%dma_start3A_34 : memref<10000x128xf32, #tpu.memory_space<hbm>>) target(%arg12 : memref<80x128xf32, #tpu.memory_space<vmem>>) offsets(%dma_start3A_31 : memref<80xi32, #tpu.memory_space<vmem>>) semaphore(%arg14 : memref<!tpu.dma_semaphore, #tpu.memory_space<semaphore_mem>>)
    %add3A_35 = arith.constant 0 : i32
    %add3A_36 = arith.addi %mul3A_2, %add3A_35 : i32
    %multiple_of3A_37 = tpu.assume_multiple %add3A_36, 8 : i32
    %dma_start3A_38 = tpu.memref_slice %arg4[%multiple_of3A_37] : memref<320000xi32, #tpu.memory_space<hbm>> -> memref<80xi32, #tpu.memory_space<hbm>>
    %dma_start3A_39 = tpu.memref_slice %arg4[%multiple_of3A_37] : memref<320000xi32, #tpu.memory_space<hbm>> -> memref<80xi32, #tpu.memory_space<hbm>>
    tpu.enqueue_dma source(%dma_start3A_39 : memref<80xi32, #tpu.memory_space<hbm>>) target(%arg9 : memref<80xi32, #tpu.memory_space<vmem>>) target_semaphore(%arg15 : memref<!tpu.dma_semaphore, #tpu.memory_space<semaphore_mem>>)
    %add3A_40 = arith.constant 80 : i32
    %add3A_41 = arith.addi %mul3A_2, %add3A_40 : i32
    %multiple_of3A_42 = tpu.assume_multiple %add3A_41, 8 : i32
    %dma_start3A_43 = tpu.memref_slice %arg4[%multiple_of3A_42] : memref<320000xi32, #tpu.memory_space<hbm>> -> memref<80xi32, #tpu.memory_space<hbm>>
    %dma_start3A_44 = tpu.memref_slice %arg4[%multiple_of3A_42] : memref<320000xi32, #tpu.memory_space<hbm>> -> memref<80xi32, #tpu.memory_space<hbm>>
    tpu.enqueue_dma source(%dma_start3A_44 : memref<80xi32, #tpu.memory_space<hbm>>) target(%arg10 : memref<80xi32, #tpu.memory_space<vmem>>) target_semaphore(%arg16 : memref<!tpu.dma_semaphore, #tpu.memory_space<semaphore_mem>>)
    %scan3A = arith.constant 0 : i32
    %scan3A_45 = arith.constant 0 : i32
    %scan3A_46 = arith.constant 62 : i32
    %scan3A_47 = arith.addi %scan3A_45, %scan3A_46 : i32
    %scan3A_48 = arith.constant 1 : i32
    scf.for %scan3A_78 = %scan3A_45 to %scan3A_47 step %scan3A_48  : i32 {
      %mul3A_79 = arith.constant 2 : i32
      %mul3A_80 = arith.muli %mul3A_79, %scan3A_78 : i32
      %dma_wait3A_81 = arith.constant 0 : i32
      %dma_wait3A_82 = arith.constant 0 : i32
      %dma_wait3A_83 = tpu.memref_slice %arg8[%dma_wait3A_81, %dma_wait3A_82] : memref<125x80xi32, #tpu.memory_space<vmem>> -> memref<1x80xi32, #tpu.memory_space<vmem>>
      %dma_wait3A_84 = tpu.memref_squeeze %dma_wait3A_83 : memref<1x80xi32, #tpu.memory_space<vmem>> -> memref<80xi32, #tpu.memory_space<vmem>>
      %dma_wait3A_85 = arith.constant 0 : i32
      %dma_wait3A_86 = arith.constant 0 : i32
      %dma_wait3A_87 = tpu.memref_slice %arg2[%dma_wait3A_85, %dma_wait3A_86] : memref<10000x128xf32, #tpu.memory_space<hbm>> -> memref<10000x128xf32, #tpu.memory_space<hbm>>
      tpu.wait_indirect_dma semaphore(%arg13 : memref<!tpu.dma_semaphore, #tpu.memory_space<semaphore_mem>>) src(%dma_wait3A_87 : memref<10000x128xf32, #tpu.memory_space<hbm>>) dst(%arg11 : memref<80x128xf32, #tpu.memory_space<vmem>>)
      %dma_wait3A_88 = arith.constant 0 : i32
      %dma_wait3A_89 = tpu.memref_slice %arg4[%dma_wait3A_88] : memref<320000xi32, #tpu.memory_space<hbm>> -> memref<80xi32, #tpu.memory_space<hbm>>
      %dma_wait3A_90 = arith.constant 0 : i32
      %dma_wait3A_91 = tpu.memref_slice %arg4[%dma_wait3A_90] : memref<320000xi32, #tpu.memory_space<hbm>> -> memref<80xi32, #tpu.memory_space<hbm>>
      tpu.wait_dma2 semaphore(%arg15 : memref<!tpu.dma_semaphore, #tpu.memory_space<semaphore_mem>>) src(%dma_wait3A_91 : memref<80xi32, #tpu.memory_space<hbm>>) dst(%arg9 : memref<80xi32, #tpu.memory_space<vmem>>)
      "tpu.region"() ({
        %run_scoped3A = tpu.sem_alloc : memref<!tpu.dma_semaphore, #tpu.memory_space<semaphore_mem>>
        %dma_start3A_142 = arith.constant 0 : i32
        %dma_start3A_143 = arith.constant 0 : i32
        %dma_start3A_144 = tpu.memref_slice %arg7[%dma_start3A_142, %dma_start3A_143] : memref<10016x128xf32, #tpu.memory_space<vmem_shared>> -> memref<10016x128xf32, #tpu.memory_space<vmem_shared>>
        tpu.enqueue_indirect_dma source(%arg11 : memref<80x128xf32, #tpu.memory_space<vmem>>) target(%dma_start3A_144 : memref<10016x128xf32, #tpu.memory_space<vmem_shared>>) offsets(%arg9 : memref<80xi32, #tpu.memory_space<vmem>>) semaphore(%run_scoped3A : memref<!tpu.dma_semaphore, #tpu.memory_space<semaphore_mem>>) {add = true}
        %dma_wait3A_145 = arith.constant 0 : i32
        %dma_wait3A_146 = arith.constant 0 : i32
        %dma_wait3A_147 = tpu.memref_slice %arg7[%dma_wait3A_145, %dma_wait3A_146] : memref<10016x128xf32, #tpu.memory_space<vmem_shared>> -> memref<10016x128xf32, #tpu.memory_space<vmem_shared>>
        tpu.wait_indirect_dma semaphore(%run_scoped3A : memref<!tpu.dma_semaphore, #tpu.memory_space<semaphore_mem>>) src(%arg11 : memref<80x128xf32, #tpu.memory_space<vmem>>) dst(%dma_wait3A_147 : memref<10016x128xf32, #tpu.memory_space<vmem_shared>>)
        tpu.yield
      }) : () -> ()
      %add3A_92 = arith.constant 2 : i32
      %add3A_93 = arith.addi %mul3A_80, %add3A_92 : i32
      %min3A = arith.constant 124 : i32
      %min3A_94 = arith.minsi %add3A_93, %min3A : i32
      %dma_start3A_95 = arith.constant 0 : i32
      %dma_start3A_96 = tpu.memref_slice %arg8[%min3A_94, %dma_start3A_95] : memref<125x80xi32, #tpu.memory_space<vmem>> -> memref<1x80xi32, #tpu.memory_space<vmem>>
      %dma_start3A_97 = tpu.memref_squeeze %dma_start3A_96 : memref<1x80xi32, #tpu.memory_space<vmem>> -> memref<80xi32, #tpu.memory_space<vmem>>
      %dma_start3A_98 = arith.constant 0 : i32
      %dma_start3A_99 = arith.constant 0 : i32
      %dma_start3A_100 = tpu.memref_slice %arg2[%dma_start3A_98, %dma_start3A_99] : memref<10000x128xf32, #tpu.memory_space<hbm>> -> memref<10000x128xf32, #tpu.memory_space<hbm>>
      tpu.enqueue_indirect_dma source(%dma_start3A_100 : memref<10000x128xf32, #tpu.memory_space<hbm>>) target(%arg11 : memref<80x128xf32, #tpu.memory_space<vmem>>) offsets(%dma_start3A_97 : memref<80xi32, #tpu.memory_space<vmem>>) semaphore(%arg13 : memref<!tpu.dma_semaphore, #tpu.memory_space<semaphore_mem>>)
      %add3A_101 = arith.constant 2 : i32
      %add3A_102 = arith.addi %mul3A_80, %add3A_101 : i32
      %min3A_103 = arith.constant 124 : i32
      %min3A_104 = arith.minsi %add3A_102, %min3A_103 : i32
      %mul3A_105 = arith.constant 80 : i32
      %mul3A_106 = arith.muli %min3A_104, %mul3A_105 : i32
      %add3A_107 = arith.addi %mul3A_2, %mul3A_106 : i32
      %multiple_of3A_108 = tpu.assume_multiple %add3A_107, 8 : i32
      %dma_start3A_109 = tpu.memref_slice %arg4[%multiple_of3A_108] : memref<320000xi32, #tpu.memory_space<hbm>> -> memref<80xi32, #tpu.memory_space<hbm>>
      %dma_start3A_110 = tpu.memref_slice %arg4[%multiple_of3A_108] : memref<320000xi32, #tpu.memory_space<hbm>> -> memref<80xi32, #tpu.memory_space<hbm>>
      tpu.enqueue_dma source(%dma_start3A_110 : memref<80xi32, #tpu.memory_space<hbm>>) target(%arg9 : memref<80xi32, #tpu.memory_space<vmem>>) target_semaphore(%arg15 : memref<!tpu.dma_semaphore, #tpu.memory_space<semaphore_mem>>)
      %dma_wait3A_111 = arith.constant 0 : i32
      %dma_wait3A_112 = arith.constant 0 : i32
      %dma_wait3A_113 = tpu.memref_slice %arg8[%dma_wait3A_111, %dma_wait3A_112] : memref<125x80xi32, #tpu.memory_space<vmem>> -> memref<1x80xi32, #tpu.memory_space<vmem>>
      %dma_wait3A_114 = tpu.memref_squeeze %dma_wait3A_113 : memref<1x80xi32, #tpu.memory_space<vmem>> -> memref<80xi32, #tpu.memory_space<vmem>>
      %dma_wait3A_115 = arith.constant 0 : i32
      %dma_wait3A_116 = arith.constant 0 : i32
      %dma_wait3A_117 = tpu.memref_slice %arg2[%dma_wait3A_115, %dma_wait3A_116] : memref<10000x128xf32, #tpu.memory_space<hbm>> -> memref<10000x128xf32, #tpu.memory_space<hbm>>
      tpu.wait_indirect_dma semaphore(%arg14 : memref<!tpu.dma_semaphore, #tpu.memory_space<semaphore_mem>>) src(%dma_wait3A_117 : memref<10000x128xf32, #tpu.memory_space<hbm>>) dst(%arg12 : memref<80x128xf32, #tpu.memory_space<vmem>>)
      %dma_wait3A_118 = arith.constant 0 : i32
      %dma_wait3A_119 = tpu.memref_slice %arg4[%dma_wait3A_118] : memref<320000xi32, #tpu.memory_space<hbm>> -> memref<80xi32, #tpu.memory_space<hbm>>
      %dma_wait3A_120 = arith.constant 0 : i32
      %dma_wait3A_121 = tpu.memref_slice %arg4[%dma_wait3A_120] : memref<320000xi32, #tpu.memory_space<hbm>> -> memref<80xi32, #tpu.memory_space<hbm>>
      tpu.wait_dma2 semaphore(%arg16 : memref<!tpu.dma_semaphore, #tpu.memory_space<semaphore_mem>>) src(%dma_wait3A_121 : memref<80xi32, #tpu.memory_space<hbm>>) dst(%arg10 : memref<80xi32, #tpu.memory_space<vmem>>)
      "tpu.region"() ({
        %run_scoped3A = tpu.sem_alloc : memref<!tpu.dma_semaphore, #tpu.memory_space<semaphore_mem>>
        %dma_start3A_142 = arith.constant 0 : i32
        %dma_start3A_143 = arith.constant 0 : i32
        %dma_start3A_144 = tpu.memref_slice %arg7[%dma_start3A_142, %dma_start3A_143] : memref<10016x128xf32, #tpu.memory_space<vmem_shared>> -> memref<10016x128xf32, #tpu.memory_space<vmem_shared>>
        tpu.enqueue_indirect_dma source(%arg12 : memref<80x128xf32, #tpu.memory_space<vmem>>) target(%dma_start3A_144 : memref<10016x128xf32, #tpu.memory_space<vmem_shared>>) offsets(%arg10 : memref<80xi32, #tpu.memory_space<vmem>>) semaphore(%run_scoped3A : memref<!tpu.dma_semaphore, #tpu.memory_space<semaphore_mem>>) {add = true}
        %dma_wait3A_145 = arith.constant 0 : i32
        %dma_wait3A_146 = arith.constant 0 : i32
        %dma_wait3A_147 = tpu.memref_slice %arg7[%dma_wait3A_145, %dma_wait3A_146] : memref<10016x128xf32, #tpu.memory_space<vmem_shared>> -> memref<10016x128xf32, #tpu.memory_space<vmem_shared>>
        tpu.wait_indirect_dma semaphore(%run_scoped3A : memref<!tpu.dma_semaphore, #tpu.memory_space<semaphore_mem>>) src(%arg12 : memref<80x128xf32, #tpu.memory_space<vmem>>) dst(%dma_wait3A_147 : memref<10016x128xf32, #tpu.memory_space<vmem_shared>>)
        tpu.yield
      }) : () -> ()
      %add3A_122 = arith.constant 3 : i32
      %add3A_123 = arith.addi %mul3A_80, %add3A_122 : i32
      %min3A_124 = arith.constant 124 : i32
      %min3A_125 = arith.minsi %add3A_123, %min3A_124 : i32
      %dma_start3A_126 = arith.constant 0 : i32
      %dma_start3A_127 = tpu.memref_slice %arg8[%min3A_125, %dma_start3A_126] : memref<125x80xi32, #tpu.memory_space<vmem>> -> memref<1x80xi32, #tpu.memory_space<vmem>>
      %dma_start3A_128 = tpu.memref_squeeze %dma_start3A_127 : memref<1x80xi32, #tpu.memory_space<vmem>> -> memref<80xi32, #tpu.memory_space<vmem>>
      %dma_start3A_129 = arith.constant 0 : i32
      %dma_start3A_130 = arith.constant 0 : i32
      %dma_start3A_131 = tpu.memref_slice %arg2[%dma_start3A_129, %dma_start3A_130] : memref<10000x128xf32, #tpu.memory_space<hbm>> -> memref<10000x128xf32, #tpu.memory_space<hbm>>
      tpu.enqueue_indirect_dma source(%dma_start3A_131 : memref<10000x128xf32, #tpu.memory_space<hbm>>) target(%arg12 : memref<80x128xf32, #tpu.memory_space<vmem>>) offsets(%dma_start3A_128 : memref<80xi32, #tpu.memory_space<vmem>>) semaphore(%arg14 : memref<!tpu.dma_semaphore, #tpu.memory_space<semaphore_mem>>)
      %add3A_132 = arith.constant 3 : i32
      %add3A_133 = arith.addi %mul3A_80, %add3A_132 : i32
      %min3A_134 = arith.constant 124 : i32
      %min3A_135 = arith.minsi %add3A_133, %min3A_134 : i32
      %mul3A_136 = arith.constant 80 : i32
      %mul3A_137 = arith.muli %min3A_135, %mul3A_136 : i32
      %add3A_138 = arith.addi %mul3A_2, %mul3A_137 : i32
      %multiple_of3A_139 = tpu.assume_multiple %add3A_138, 8 : i32
      %dma_start3A_140 = tpu.memref_slice %arg4[%multiple_of3A_139] : memref<320000xi32, #tpu.memory_space<hbm>> -> memref<80xi32, #tpu.memory_space<hbm>>
      %dma_start3A_141 = tpu.memref_slice %arg4[%multiple_of3A_139] : memref<320000xi32, #tpu.memory_space<hbm>> -> memref<80xi32, #tpu.memory_space<hbm>>
      tpu.enqueue_dma source(%dma_start3A_141 : memref<80xi32, #tpu.memory_space<hbm>>) target(%arg10 : memref<80xi32, #tpu.memory_space<vmem>>) target_semaphore(%arg16 : memref<!tpu.dma_semaphore, #tpu.memory_space<semaphore_mem>>)
    }
    %scan3A_49 = arith.constant 62 : i32
    %dma_wait3A_50 = arith.constant 0 : i32
    %dma_wait3A_51 = arith.constant 0 : i32
    %dma_wait3A_52 = tpu.memref_slice %arg8[%dma_wait3A_50, %dma_wait3A_51] : memref<125x80xi32, #tpu.memory_space<vmem>> -> memref<1x80xi32, #tpu.memory_space<vmem>>
    %dma_wait3A_53 = tpu.memref_squeeze %dma_wait3A_52 : memref<1x80xi32, #tpu.memory_space<vmem>> -> memref<80xi32, #tpu.memory_space<vmem>>
    %dma_wait3A_54 = arith.constant 0 : i32
    %dma_wait3A_55 = arith.constant 0 : i32
    %dma_wait3A_56 = tpu.memref_slice %arg2[%dma_wait3A_54, %dma_wait3A_55] : memref<10000x128xf32, #tpu.memory_space<hbm>> -> memref<10000x128xf32, #tpu.memory_space<hbm>>
    tpu.wait_indirect_dma semaphore(%arg13 : memref<!tpu.dma_semaphore, #tpu.memory_space<semaphore_mem>>) src(%dma_wait3A_56 : memref<10000x128xf32, #tpu.memory_space<hbm>>) dst(%arg11 : memref<80x128xf32, #tpu.memory_space<vmem>>)
    %dma_wait3A_57 = arith.constant 0 : i32
    %dma_wait3A_58 = tpu.memref_slice %arg4[%dma_wait3A_57] : memref<320000xi32, #tpu.memory_space<hbm>> -> memref<80xi32, #tpu.memory_space<hbm>>
    %dma_wait3A_59 = arith.constant 0 : i32
    %dma_wait3A_60 = tpu.memref_slice %arg4[%dma_wait3A_59] : memref<320000xi32, #tpu.memory_space<hbm>> -> memref<80xi32, #tpu.memory_space<hbm>>
    tpu.wait_dma2 semaphore(%arg15 : memref<!tpu.dma_semaphore, #tpu.memory_space<semaphore_mem>>) src(%dma_wait3A_60 : memref<80xi32, #tpu.memory_space<hbm>>) dst(%arg9 : memref<80xi32, #tpu.memory_space<vmem>>)
    "tpu.region"() ({
      %run_scoped3A = tpu.sem_alloc : memref<!tpu.dma_semaphore, #tpu.memory_space<semaphore_mem>>
      %dma_start3A_78 = arith.constant 0 : i32
      %dma_start3A_79 = arith.constant 0 : i32
      %dma_start3A_80 = tpu.memref_slice %arg7[%dma_start3A_78, %dma_start3A_79] : memref<10016x128xf32, #tpu.memory_space<vmem_shared>> -> memref<10016x128xf32, #tpu.memory_space<vmem_shared>>
      tpu.enqueue_indirect_dma source(%arg11 : memref<80x128xf32, #tpu.memory_space<vmem>>) target(%dma_start3A_80 : memref<10016x128xf32, #tpu.memory_space<vmem_shared>>) offsets(%arg9 : memref<80xi32, #tpu.memory_space<vmem>>) semaphore(%run_scoped3A : memref<!tpu.dma_semaphore, #tpu.memory_space<semaphore_mem>>) {add = true}
      %dma_wait3A_81 = arith.constant 0 : i32
      %dma_wait3A_82 = arith.constant 0 : i32
      %dma_wait3A_83 = tpu.memref_slice %arg7[%dma_wait3A_81, %dma_wait3A_82] : memref<10016x128xf32, #tpu.memory_space<vmem_shared>> -> memref<10016x128xf32, #tpu.memory_space<vmem_shared>>
      tpu.wait_indirect_dma semaphore(%run_scoped3A : memref<!tpu.dma_semaphore, #tpu.memory_space<semaphore_mem>>) src(%arg11 : memref<80x128xf32, #tpu.memory_space<vmem>>) dst(%dma_wait3A_83 : memref<10016x128xf32, #tpu.memory_space<vmem_shared>>)
      tpu.yield
    }) : () -> ()
    %dma_wait3A_61 = arith.constant 0 : i32
    %dma_wait3A_62 = arith.constant 0 : i32
    %dma_wait3A_63 = tpu.memref_slice %arg8[%dma_wait3A_61, %dma_wait3A_62] : memref<125x80xi32, #tpu.memory_space<vmem>> -> memref<1x80xi32, #tpu.memory_space<vmem>>
    %dma_wait3A_64 = tpu.memref_squeeze %dma_wait3A_63 : memref<1x80xi32, #tpu.memory_space<vmem>> -> memref<80xi32, #tpu.memory_space<vmem>>
    %dma_wait3A_65 = arith.constant 0 : i32
    %dma_wait3A_66 = arith.constant 0 : i32
    %dma_wait3A_67 = tpu.memref_slice %arg2[%dma_wait3A_65, %dma_wait3A_66] : memref<10000x128xf32, #tpu.memory_space<hbm>> -> memref<10000x128xf32, #tpu.memory_space<hbm>>
    tpu.wait_indirect_dma semaphore(%arg14 : memref<!tpu.dma_semaphore, #tpu.memory_space<semaphore_mem>>) src(%dma_wait3A_67 : memref<10000x128xf32, #tpu.memory_space<hbm>>) dst(%arg12 : memref<80x128xf32, #tpu.memory_space<vmem>>)
    %dma_wait3A_68 = arith.constant 0 : i32
    %dma_wait3A_69 = tpu.memref_slice %arg4[%dma_wait3A_68] : memref<320000xi32, #tpu.memory_space<hbm>> -> memref<80xi32, #tpu.memory_space<hbm>>
    %dma_wait3A_70 = arith.constant 0 : i32
    %dma_wait3A_71 = tpu.memref_slice %arg4[%dma_wait3A_70] : memref<320000xi32, #tpu.memory_space<hbm>> -> memref<80xi32, #tpu.memory_space<hbm>>
    tpu.wait_dma2 semaphore(%arg16 : memref<!tpu.dma_semaphore, #tpu.memory_space<semaphore_mem>>) src(%dma_wait3A_71 : memref<80xi32, #tpu.memory_space<hbm>>) dst(%arg10 : memref<80xi32, #tpu.memory_space<vmem>>)
    %barrier3A_72 = arith.constant 0 : index
    tpu.barrier barrier_id(%barrier3A_72)
    "tpu.region"() ({
      %run_scoped3A = tpu.sem_alloc : memref<!tpu.dma_semaphore, #tpu.memory_space<semaphore_mem>>
      %dma_start3A_78 = arith.constant 0 : i32
      %dma_start3A_79 = tpu.memref_slice %arg6[%arg0, %multiple_of3A, %dma_start3A_78] : memref<2x10000x128xf32, #tpu.memory_space<hbm>> -> memref<1x624x128xf32, #tpu.memory_space<hbm>>
      %dma_start3A_80 = tpu.memref_squeeze %dma_start3A_79 : memref<1x624x128xf32, #tpu.memory_space<hbm>> -> memref<624x128xf32, #tpu.memory_space<hbm>>
      %dma_start3A_81 = arith.constant 0 : i32
      %dma_start3A_82 = tpu.memref_slice %arg7[%multiple_of3A, %dma_start3A_81] : memref<10016x128xf32, #tpu.memory_space<vmem_shared>> -> memref<624x128xf32, #tpu.memory_space<vmem_shared>>
      tpu.enqueue_dma source(%dma_start3A_82 : memref<624x128xf32, #tpu.memory_space<vmem_shared>>) target(%dma_start3A_80 : memref<624x128xf32, #tpu.memory_space<hbm>>) target_semaphore(%run_scoped3A : memref<!tpu.dma_semaphore, #tpu.memory_space<semaphore_mem>>)
      %dma_wait3A_83 = arith.constant 0 : i32
      %dma_wait3A_84 = tpu.memref_slice %arg6[%arg0, %multiple_of3A, %dma_wait3A_83] : memref<2x10000x128xf32, #tpu.memory_space<hbm>> -> memref<1x624x128xf32, #tpu.memory_space<hbm>>
      %dma_wait3A_85 = tpu.memref_squeeze %dma_wait3A_84 : memref<1x624x128xf32, #tpu.memory_space<hbm>> -> memref<624x128xf32, #tpu.memory_space<hbm>>
      %dma_wait3A_86 = arith.constant 0 : i32
      %dma_wait3A_87 = tpu.memref_slice %arg7[%multiple_of3A, %dma_wait3A_86] : memref<10016x128xf32, #tpu.memory_space<vmem_shared>> -> memref<624x128xf32, #tpu.memory_space<vmem_shared>>
      tpu.wait_dma2 semaphore(%run_scoped3A : memref<!tpu.dma_semaphore, #tpu.memory_space<semaphore_mem>>) src(%dma_wait3A_87 : memref<624x128xf32, #tpu.memory_space<vmem_shared>>) dst(%dma_wait3A_85 : memref<624x128xf32, #tpu.memory_space<hbm>>)
      tpu.yield
    }) : () -> ()
    %eq3A_73 = arith.constant 15 : i32
    %eq3A_74 = arith.cmpi eq, %arg1, %eq3A_73 : i32
    %convert_element_type3A_75 = arith.extui %eq3A_74 : i1 to i32
    %cond3A_76 = arith.constant 0 : i32
    %cond3A_77 = arith.cmpi ne, %convert_element_type3A_75, %cond3A_76 : i32
    scf.if %cond3A_77 {
      "tpu.region"() ({
        %run_scoped3A = tpu.sem_alloc : memref<!tpu.dma_semaphore, #tpu.memory_space<semaphore_mem>>
        %dma_start3A_78 = arith.constant 9984 : i32
        %dma_start3A_79 = arith.constant 0 : i32
        %dma_start3A_80 = tpu.memref_slice %arg6[%arg0, %dma_start3A_78, %dma_start3A_79] : memref<2x10000x128xf32, #tpu.memory_space<hbm>> -> memref<1x16x128xf32, #tpu.memory_space<hbm>>
        %dma_start3A_81 = tpu.memref_squeeze %dma_start3A_80 : memref<1x16x128xf32, #tpu.memory_space<hbm>> -> memref<16x128xf32, #tpu.memory_space<hbm>>
        %dma_start3A_82 = arith.constant 9984 : i32
        %dma_start3A_83 = arith.constant 0 : i32
        %dma_start3A_84 = tpu.memref_slice %arg7[%dma_start3A_82, %dma_start3A_83] : memref<10016x128xf32, #tpu.memory_space<vmem_shared>> -> memref<16x128xf32, #tpu.memory_space<vmem_shared>>
        tpu.enqueue_dma source(%dma_start3A_84 : memref<16x128xf32, #tpu.memory_space<vmem_shared>>) target(%dma_start3A_81 : memref<16x128xf32, #tpu.memory_space<hbm>>) target_semaphore(%run_scoped3A : memref<!tpu.dma_semaphore, #tpu.memory_space<semaphore_mem>>)
        %dma_wait3A_85 = arith.constant 9984 : i32
        %dma_wait3A_86 = arith.constant 0 : i32
        %dma_wait3A_87 = tpu.memref_slice %arg6[%arg0, %dma_wait3A_85, %dma_wait3A_86] : memref<2x10000x128xf32, #tpu.memory_space<hbm>> -> memref<1x16x128xf32, #tpu.memory_space<hbm>>
        %dma_wait3A_88 = tpu.memref_squeeze %dma_wait3A_87 : memref<1x16x128xf32, #tpu.memory_space<hbm>> -> memref<16x128xf32, #tpu.memory_space<hbm>>
        %dma_wait3A_89 = arith.constant 9984 : i32
        %dma_wait3A_90 = arith.constant 0 : i32
        %dma_wait3A_91 = tpu.memref_slice %arg7[%dma_wait3A_89, %dma_wait3A_90] : memref<10016x128xf32, #tpu.memory_space<vmem_shared>> -> memref<16x128xf32, #tpu.memory_space<vmem_shared>>
        tpu.wait_dma2 semaphore(%run_scoped3A : memref<!tpu.dma_semaphore, #tpu.memory_space<semaphore_mem>>) src(%dma_wait3A_91 : memref<16x128xf32, #tpu.memory_space<vmem_shared>>) dst(%dma_wait3A_88 : memref<16x128xf32, #tpu.memory_space<hbm>>)
        tpu.yield
      }) : () -> ()
    } else {
    }
    return
  }
}

#map = affine_map<(d0, d1) -> (0, 0)>
#map1 = affine_map<(d0, d1) -> (0, 0, 0)>
#map2 = affine_map<(d0, d1) -> (0)>
module attributes {stable_mosaic.version = 14 : i64} {
  func.func @k(%arg0: i32, %arg1: i32, %arg2: memref<10000x128xf32, #tpu.memory_space<hbm>>, %arg3: memref<32x125x80xi32, #tpu.memory_space<hbm>>, %arg4: memref<320000xi32, #tpu.memory_space<hbm>>, %arg5: memref<10000x128xf32, #tpu.memory_space<hbm>>, %arg6: memref<2x10000x128xf32, #tpu.memory_space<hbm>>, %arg7: memref<10016x128xf32, #tpu.memory_space<vmem_shared>>, %arg8: memref<125x80xi32, #tpu.memory_space<vmem>>, %arg9: memref<80xi32, #tpu.memory_space<vmem>>, %arg10: memref<80xi32, #tpu.memory_space<vmem>>, %arg11: memref<80x128xf32, #tpu.memory_space<vmem>>, %arg12: memref<80x128xf32, #tpu.memory_space<vmem>>, %arg13: memref<!tpu.dma_semaphore, #tpu.memory_space<semaphore_mem>>, %arg14: memref<!tpu.dma_semaphore, #tpu.memory_space<semaphore_mem>>, %arg15: memref<!tpu.dma_semaphore, #tpu.memory_space<semaphore_mem>>, %arg16: memref<!tpu.dma_semaphore, #tpu.memory_space<semaphore_mem>>) attributes {dimension_semantics = [#tpu.dimension_semantics<core_parallel>, #tpu.dimension_semantics<subcore_parallel>], iteration_bounds = array<i64: 2, 16>, scalar_prefetch = 0 : i64, scratch_operands = 10 : i64, tpu.core_type = #tpu.core_type<sc_vector_subcore>, window_params = [{transform_indices = #map}, {transform_indices = #map1}, {transform_indices = #map2}, {transform_indices = #map}, {transform_indices = #map1}]} {
    %mul3A = arith.constant 16 : i32
    %mul3A_0 = arith.muli %arg0, %mul3A : i32
    %add3A = arith.addi %mul3A_0, %arg1 : i32
    %mul3A_1 = arith.constant 10000 : i32
    %mul3A_2 = arith.muli %add3A, %mul3A_1 : i32
    %mul3A_3 = arith.constant 624 : i32
    %mul3A_4 = arith.muli %arg1, %mul3A_3 : i32
    %multiple_of3A = tpu.assume_multiple %mul3A_4, 8 : i32
    %dma_start3A = arith.constant 0 : i32
    %dma_start3A_5 = arith.constant 0 : i32
    %dma_start3A_6 = tpu.memref_slice %arg3[%add3A, %dma_start3A, %dma_start3A_5] : memref<32x125x80xi32, #tpu.memory_space<hbm>> -> memref<1x125x80xi32, #tpu.memory_space<hbm>>
    %dma_start3A_7 = tpu.memref_squeeze %dma_start3A_6 : memref<1x125x80xi32, #tpu.memory_space<hbm>> -> memref<125x80xi32, #tpu.memory_space<hbm>>
    %dma_start3A_8 = arith.constant 0 : i32
    %dma_start3A_9 = arith.constant 0 : i32
    %dma_start3A_10 = tpu.memref_slice %arg3[%add3A, %dma_start3A_8, %dma_start3A_9] : memref<32x125x80xi32, #tpu.memory_space<hbm>> -> memref<1x125x80xi32, #tpu.memory_space<hbm>>
    %dma_start3A_11 = tpu.memref_squeeze %dma_start3A_10 : memref<1x125x80xi32, #tpu.memory_space<hbm>> -> memref<125x80xi32, #tpu.memory_space<hbm>>
    tpu.enqueue_dma source(%dma_start3A_11 : memref<125x80xi32, #tpu.memory_space<hbm>>) target(%arg8 : memref<125x80xi32, #tpu.memory_space<vmem>>) target_semaphore(%arg13 : memref<!tpu.dma_semaphore, #tpu.memory_space<semaphore_mem>>)
    "tpu.region"() ({
      %run_scoped3A = tpu.sem_alloc : memref<!tpu.dma_semaphore, #tpu.memory_space<semaphore_mem>>
      %dma_start3A_78 = arith.constant 0 : i32
      %dma_start3A_79 = tpu.memref_slice %arg7[%multiple_of3A, %dma_start3A_78] : memref<10016x128xf32, #tpu.memory_space<vmem_shared>> -> memref<624x128xf32, #tpu.memory_space<vmem_shared>>
      %dma_start3A_80 = arith.constant 0 : i32
      %dma_start3A_81 = tpu.memref_slice %arg5[%multiple_of3A, %dma_start3A_80] : memref<10000x128xf32, #tpu.memory_space<hbm>> -> memref<624x128xf32, #tpu.memory_space<hbm>>
      tpu.enqueue_dma source(%dma_start3A_81 : memref<624x128xf32, #tpu.memory_space<hbm>>) target(%dma_start3A_79 : memref<624x128xf32, #tpu.memory_space<vmem_shared>>) target_semaphore(%run_scoped3A : memref<!tpu.dma_semaphore, #tpu.memory_space<semaphore_mem>>)
      %dma_wait3A_82 = arith.constant 0 : i32
      %dma_wait3A_83 = tpu.memref_slice %arg7[%multiple_of3A, %dma_wait3A_82] : memref<10016x128xf32, #tpu.memory_space<vmem_shared>> -> memref<624x128xf32, #tpu.memory_space<vmem_shared>>
      %dma_wait3A_84 = arith.constant 0 : i32
      %dma_wait3A_85 = tpu.memref_slice %arg5[%multiple_of3A, %dma_wait3A_84] : memref<10000x128xf32, #tpu.memory_space<hbm>> -> memref<624x128xf32, #tpu.memory_space<hbm>>
      tpu.wait_dma2 semaphore(%run_scoped3A : memref<!tpu.dma_semaphore, #tpu.memory_space<semaphore_mem>>) src(%dma_wait3A_85 : memref<624x128xf32, #tpu.memory_space<hbm>>) dst(%dma_wait3A_83 : memref<624x128xf32, #tpu.memory_space<vmem_shared>>)
      tpu.yield
    }) : () -> ()
    %eq3A = arith.constant 15 : i32
    %eq3A_12 = arith.cmpi eq, %arg1, %eq3A : i32
    %convert_element_type3A = arith.extui %eq3A_12 : i1 to i32
    %cond3A = arith.constant 0 : i32
    %cond3A_13 = arith.cmpi ne, %convert_element_type3A, %cond3A : i32
    scf.if %cond3A_13 {
      "tpu.region"() ({
        %run_scoped3A = tpu.sem_alloc : memref<!tpu.dma_semaphore, #tpu.memory_space<semaphore_mem>>
        %dma_start3A_78 = arith.constant 9984 : i32
        %dma_start3A_79 = arith.constant 0 : i32
        %dma_start3A_80 = tpu.memref_slice %arg7[%dma_start3A_78, %dma_start3A_79] : memref<10016x128xf32, #tpu.memory_space<vmem_shared>> -> memref<16x128xf32, #tpu.memory_space<vmem_shared>>
        %dma_start3A_81 = arith.constant 9984 : i32
        %dma_start3A_82 = arith.constant 0 : i32
        %dma_start3A_83 = tpu.memref_slice %arg5[%dma_start3A_81, %dma_start3A_82] : memref<10000x128xf32, #tpu.memory_space<hbm>> -> memref<16x128xf32, #tpu.memory_space<hbm>>
        tpu.enqueue_dma source(%dma_start3A_83 : memref<16x128xf32, #tpu.memory_space<hbm>>) target(%dma_start3A_80 : memref<16x128xf32, #tpu.memory_space<vmem_shared>>) target_semaphore(%run_scoped3A : memref<!tpu.dma_semaphore, #tpu.memory_space<semaphore_mem>>)
        %dma_wait3A_84 = arith.constant 9984 : i32
        %dma_wait3A_85 = arith.constant 0 : i32
        %dma_wait3A_86 = tpu.memref_slice %arg7[%dma_wait3A_84, %dma_wait3A_85] : memref<10016x128xf32, #tpu.memory_space<vmem_shared>> -> memref<16x128xf32, #tpu.memory_space<vmem_shared>>
        %dma_wait3A_87 = arith.constant 9984 : i32
        %dma_wait3A_88 = arith.constant 0 : i32
        %dma_wait3A_89 = tpu.memref_slice %arg5[%dma_wait3A_87, %dma_wait3A_88] : memref<10000x128xf32, #tpu.memory_space<hbm>> -> memref<16x128xf32, #tpu.memory_space<hbm>>
        tpu.wait_dma2 semaphore(%run_scoped3A : memref<!tpu.dma_semaphore, #tpu.memory_space<semaphore_mem>>) src(%dma_wait3A_89 : memref<16x128xf32, #tpu.memory_space<hbm>>) dst(%dma_wait3A_86 : memref<16x128xf32, #tpu.memory_space<vmem_shared>>)
        tpu.yield
      }) : () -> ()
    } else {
    }
    %dma_wait3A = arith.constant 0 : i32
    %dma_wait3A_14 = arith.constant 0 : i32
    %dma_wait3A_15 = tpu.memref_slice %arg3[%add3A, %dma_wait3A, %dma_wait3A_14] : memref<32x125x80xi32, #tpu.memory_space<hbm>> -> memref<1x125x80xi32, #tpu.memory_space<hbm>>
    %dma_wait3A_16 = tpu.memref_squeeze %dma_wait3A_15 : memref<1x125x80xi32, #tpu.memory_space<hbm>> -> memref<125x80xi32, #tpu.memory_space<hbm>>
    %dma_wait3A_17 = arith.constant 0 : i32
    %dma_wait3A_18 = arith.constant 0 : i32
    %dma_wait3A_19 = tpu.memref_slice %arg3[%add3A, %dma_wait3A_17, %dma_wait3A_18] : memref<32x125x80xi32, #tpu.memory_space<hbm>> -> memref<1x125x80xi32, #tpu.memory_space<hbm>>
    %dma_wait3A_20 = tpu.memref_squeeze %dma_wait3A_19 : memref<1x125x80xi32, #tpu.memory_space<hbm>> -> memref<125x80xi32, #tpu.memory_space<hbm>>
    tpu.wait_dma2 semaphore(%arg13 : memref<!tpu.dma_semaphore, #tpu.memory_space<semaphore_mem>>) src(%dma_wait3A_20 : memref<125x80xi32, #tpu.memory_space<hbm>>) dst(%arg8 : memref<125x80xi32, #tpu.memory_space<vmem>>)
    %barrier3A = arith.constant 0 : index
    tpu.barrier barrier_id(%barrier3A)
    %dma_start3A_21 = arith.constant 0 : i32
    %dma_start3A_22 = arith.constant 0 : i32
    %dma_start3A_23 = tpu.memref_slice %arg8[%dma_start3A_21, %dma_start3A_22] : memref<125x80xi32, #tpu.memory_space<vmem>> -> memref<1x80xi32, #tpu.memory_space<vmem>>
    %dma_start3A_24 = tpu.memref_squeeze %dma_start3A_23 : memref<1x80xi32, #tpu.memory_space<vmem>> -> memref<80xi32, #tpu.memory_space<vmem>>
    %dma_start3A_25 = arith.constant 0 : i32
    %dma_start3A_26 = arith.constant 0 : i32
    %dma_start3A_27 = tpu.memref_slice %arg2[%dma_start3A_25, %dma_start3A_26] : memref<10000x128xf32, #tpu.memory_space<hbm>> -> memref<10000x128xf32, #tpu.memory_space<hbm>>
    tpu.enqueue_indirect_dma source(%dma_start3A_27 : memref<10000x128xf32, #tpu.memory_space<hbm>>) target(%arg11 : memref<80x128xf32, #tpu.memory_space<vmem>>) offsets(%dma_start3A_24 : memref<80xi32, #tpu.memory_space<vmem>>) semaphore(%arg13 : memref<!tpu.dma_semaphore, #tpu.memory_space<semaphore_mem>>)
    %dma_start3A_28 = arith.constant 1 : i32
    %dma_start3A_29 = arith.constant 0 : i32
    %dma_start3A_30 = tpu.memref_slice %arg8[%dma_start3A_28, %dma_start3A_29] : memref<125x80xi32, #tpu.memory_space<vmem>> -> memref<1x80xi32, #tpu.memory_space<vmem>>
    %dma_start3A_31 = tpu.memref_squeeze %dma_start3A_30 : memref<1x80xi32, #tpu.memory_space<vmem>> -> memref<80xi32, #tpu.memory_space<vmem>>
    %dma_start3A_32 = arith.constant 0 : i32
    %dma_start3A_33 = arith.constant 0 : i32
    %dma_start3A_34 = tpu.memref_slice %arg2[%dma_start3A_32, %dma_start3A_33] : memref<10000x128xf32, #tpu.memory_space<hbm>> -> memref<10000x128xf32, #tpu.memory_space<hbm>>
    tpu.enqueue_indirect_dma source(%dma_start3A_34 : memref<10000x128xf32, #tpu.memory_space<hbm>>) target(%arg12 : memref<80x128xf32, #tpu.memory_space<vmem>>) offsets(%dma_start3A_31 : memref<80xi32, #tpu.memory_space<vmem>>) semaphore(%arg14 : memref<!tpu.dma_semaphore, #tpu.memory_space<semaphore_mem>>)
    %add3A_35 = arith.constant 0 : i32
    %add3A_36 = arith.addi %mul3A_2, %add3A_35 : i32
    %multiple_of3A_37 = tpu.assume_multiple %add3A_36, 8 : i32
    %dma_start3A_38 = tpu.memref_slice %arg4[%multiple_of3A_37] : memref<320000xi32, #tpu.memory_space<hbm>> -> memref<80xi32, #tpu.memory_space<hbm>>
    %dma_start3A_39 = tpu.memref_slice %arg4[%multiple_of3A_37] : memref<320000xi32, #tpu.memory_space<hbm>> -> memref<80xi32, #tpu.memory_space<hbm>>
    tpu.enqueue_dma source(%dma_start3A_39 : memref<80xi32, #tpu.memory_space<hbm>>) target(%arg9 : memref<80xi32, #tpu.memory_space<vmem>>) target_semaphore(%arg15 : memref<!tpu.dma_semaphore, #tpu.memory_space<semaphore_mem>>)
    %add3A_40 = arith.constant 80 : i32
    %add3A_41 = arith.addi %mul3A_2, %add3A_40 : i32
    %multiple_of3A_42 = tpu.assume_multiple %add3A_41, 8 : i32
    %dma_start3A_43 = tpu.memref_slice %arg4[%multiple_of3A_42] : memref<320000xi32, #tpu.memory_space<hbm>> -> memref<80xi32, #tpu.memory_space<hbm>>
    %dma_start3A_44 = tpu.memref_slice %arg4[%multiple_of3A_42] : memref<320000xi32, #tpu.memory_space<hbm>> -> memref<80xi32, #tpu.memory_space<hbm>>
    tpu.enqueue_dma source(%dma_start3A_44 : memref<80xi32, #tpu.memory_space<hbm>>) target(%arg10 : memref<80xi32, #tpu.memory_space<vmem>>) target_semaphore(%arg16 : memref<!tpu.dma_semaphore, #tpu.memory_space<semaphore_mem>>)
    %scan3A = arith.constant 0 : i32
    %scan3A_45 = arith.constant 0 : i32
    %scan3A_46 = arith.constant 62 : i32
    %scan3A_47 = arith.addi %scan3A_45, %scan3A_46 : i32
    %scan3A_48 = arith.constant 1 : i32
    scf.for %scan3A_78 = %scan3A_45 to %scan3A_47 step %scan3A_48  : i32 {
      %mul3A_79 = arith.constant 2 : i32
      %mul3A_80 = arith.muli %mul3A_79, %scan3A_78 : i32
      %dma_wait3A_81 = arith.constant 0 : i32
      %dma_wait3A_82 = arith.constant 0 : i32
      %dma_wait3A_83 = tpu.memref_slice %arg8[%dma_wait3A_81, %dma_wait3A_82] : memref<125x80xi32, #tpu.memory_space<vmem>> -> memref<1x80xi32, #tpu.memory_space<vmem>>
      %dma_wait3A_84 = tpu.memref_squeeze %dma_wait3A_83 : memref<1x80xi32, #tpu.memory_space<vmem>> -> memref<80xi32, #tpu.memory_space<vmem>>
      %dma_wait3A_85 = arith.constant 0 : i32
      %dma_wait3A_86 = arith.constant 0 : i32
      %dma_wait3A_87 = tpu.memref_slice %arg2[%dma_wait3A_85, %dma_wait3A_86] : memref<10000x128xf32, #tpu.memory_space<hbm>> -> memref<10000x128xf32, #tpu.memory_space<hbm>>
      tpu.wait_indirect_dma semaphore(%arg13 : memref<!tpu.dma_semaphore, #tpu.memory_space<semaphore_mem>>) src(%dma_wait3A_87 : memref<10000x128xf32, #tpu.memory_space<hbm>>) dst(%arg11 : memref<80x128xf32, #tpu.memory_space<vmem>>)
      %dma_wait3A_88 = arith.constant 0 : i32
      %dma_wait3A_89 = tpu.memref_slice %arg4[%dma_wait3A_88] : memref<320000xi32, #tpu.memory_space<hbm>> -> memref<80xi32, #tpu.memory_space<hbm>>
      %dma_wait3A_90 = arith.constant 0 : i32
      %dma_wait3A_91 = tpu.memref_slice %arg4[%dma_wait3A_90] : memref<320000xi32, #tpu.memory_space<hbm>> -> memref<80xi32, #tpu.memory_space<hbm>>
      tpu.wait_dma2 semaphore(%arg15 : memref<!tpu.dma_semaphore, #tpu.memory_space<semaphore_mem>>) src(%dma_wait3A_91 : memref<80xi32, #tpu.memory_space<hbm>>) dst(%arg9 : memref<80xi32, #tpu.memory_space<vmem>>)
      "tpu.region"() ({
        %run_scoped3A = tpu.sem_alloc : memref<!tpu.dma_semaphore, #tpu.memory_space<semaphore_mem>>
        %dma_start3A_142 = arith.constant 0 : i32
        %dma_start3A_143 = arith.constant 0 : i32
        %dma_start3A_144 = tpu.memref_slice %arg7[%dma_start3A_142, %dma_start3A_143] : memref<10016x128xf32, #tpu.memory_space<vmem_shared>> -> memref<10016x128xf32, #tpu.memory_space<vmem_shared>>
        tpu.enqueue_indirect_dma source(%arg11 : memref<80x128xf32, #tpu.memory_space<vmem>>) target(%dma_start3A_144 : memref<10016x128xf32, #tpu.memory_space<vmem_shared>>) offsets(%arg9 : memref<80xi32, #tpu.memory_space<vmem>>) semaphore(%run_scoped3A : memref<!tpu.dma_semaphore, #tpu.memory_space<semaphore_mem>>) {add = true}
        %dma_wait3A_145 = arith.constant 0 : i32
        %dma_wait3A_146 = arith.constant 0 : i32
        %dma_wait3A_147 = tpu.memref_slice %arg7[%dma_wait3A_145, %dma_wait3A_146] : memref<10016x128xf32, #tpu.memory_space<vmem_shared>> -> memref<10016x128xf32, #tpu.memory_space<vmem_shared>>
        tpu.wait_indirect_dma semaphore(%run_scoped3A : memref<!tpu.dma_semaphore, #tpu.memory_space<semaphore_mem>>) src(%arg11 : memref<80x128xf32, #tpu.memory_space<vmem>>) dst(%dma_wait3A_147 : memref<10016x128xf32, #tpu.memory_space<vmem_shared>>)
        tpu.yield
      }) : () -> ()
      %add3A_92 = arith.constant 2 : i32
      %add3A_93 = arith.addi %mul3A_80, %add3A_92 : i32
      %min3A = arith.constant 124 : i32
      %min3A_94 = arith.minsi %add3A_93, %min3A : i32
      %dma_start3A_95 = arith.constant 0 : i32
      %dma_start3A_96 = tpu.memref_slice %arg8[%min3A_94, %dma_start3A_95] : memref<125x80xi32, #tpu.memory_space<vmem>> -> memref<1x80xi32, #tpu.memory_space<vmem>>
      %dma_start3A_97 = tpu.memref_squeeze %dma_start3A_96 : memref<1x80xi32, #tpu.memory_space<vmem>> -> memref<80xi32, #tpu.memory_space<vmem>>
      %dma_start3A_98 = arith.constant 0 : i32
      %dma_start3A_99 = arith.constant 0 : i32
      %dma_start3A_100 = tpu.memref_slice %arg2[%dma_start3A_98, %dma_start3A_99] : memref<10000x128xf32, #tpu.memory_space<hbm>> -> memref<10000x128xf32, #tpu.memory_space<hbm>>
      tpu.enqueue_indirect_dma source(%dma_start3A_100 : memref<10000x128xf32, #tpu.memory_space<hbm>>) target(%arg11 : memref<80x128xf32, #tpu.memory_space<vmem>>) offsets(%dma_start3A_97 : memref<80xi32, #tpu.memory_space<vmem>>) semaphore(%arg13 : memref<!tpu.dma_semaphore, #tpu.memory_space<semaphore_mem>>)
      %add3A_101 = arith.constant 2 : i32
      %add3A_102 = arith.addi %mul3A_80, %add3A_101 : i32
      %min3A_103 = arith.constant 124 : i32
      %min3A_104 = arith.minsi %add3A_102, %min3A_103 : i32
      %mul3A_105 = arith.constant 80 : i32
      %mul3A_106 = arith.muli %min3A_104, %mul3A_105 : i32
      %add3A_107 = arith.addi %mul3A_2, %mul3A_106 : i32
      %multiple_of3A_108 = tpu.assume_multiple %add3A_107, 8 : i32
      %dma_start3A_109 = tpu.memref_slice %arg4[%multiple_of3A_108] : memref<320000xi32, #tpu.memory_space<hbm>> -> memref<80xi32, #tpu.memory_space<hbm>>
      %dma_start3A_110 = tpu.memref_slice %arg4[%multiple_of3A_108] : memref<320000xi32, #tpu.memory_space<hbm>> -> memref<80xi32, #tpu.memory_space<hbm>>
      tpu.enqueue_dma source(%dma_start3A_110 : memref<80xi32, #tpu.memory_space<hbm>>) target(%arg9 : memref<80xi32, #tpu.memory_space<vmem>>) target_semaphore(%arg15 : memref<!tpu.dma_semaphore, #tpu.memory_space<semaphore_mem>>)
      %dma_wait3A_111 = arith.constant 0 : i32
      %dma_wait3A_112 = arith.constant 0 : i32
      %dma_wait3A_113 = tpu.memref_slice %arg8[%dma_wait3A_111, %dma_wait3A_112] : memref<125x80xi32, #tpu.memory_space<vmem>> -> memref<1x80xi32, #tpu.memory_space<vmem>>
      %dma_wait3A_114 = tpu.memref_squeeze %dma_wait3A_113 : memref<1x80xi32, #tpu.memory_space<vmem>> -> memref<80xi32, #tpu.memory_space<vmem>>
      %dma_wait3A_115 = arith.constant 0 : i32
      %dma_wait3A_116 = arith.constant 0 : i32
      %dma_wait3A_117 = tpu.memref_slice %arg2[%dma_wait3A_115, %dma_wait3A_116] : memref<10000x128xf32, #tpu.memory_space<hbm>> -> memref<10000x128xf32, #tpu.memory_space<hbm>>
      tpu.wait_indirect_dma semaphore(%arg14 : memref<!tpu.dma_semaphore, #tpu.memory_space<semaphore_mem>>) src(%dma_wait3A_117 : memref<10000x128xf32, #tpu.memory_space<hbm>>) dst(%arg12 : memref<80x128xf32, #tpu.memory_space<vmem>>)
      %dma_wait3A_118 = arith.constant 0 : i32
      %dma_wait3A_119 = tpu.memref_slice %arg4[%dma_wait3A_118] : memref<320000xi32, #tpu.memory_space<hbm>> -> memref<80xi32, #tpu.memory_space<hbm>>
      %dma_wait3A_120 = arith.constant 0 : i32
      %dma_wait3A_121 = tpu.memref_slice %arg4[%dma_wait3A_120] : memref<320000xi32, #tpu.memory_space<hbm>> -> memref<80xi32, #tpu.memory_space<hbm>>
      tpu.wait_dma2 semaphore(%arg16 : memref<!tpu.dma_semaphore, #tpu.memory_space<semaphore_mem>>) src(%dma_wait3A_121 : memref<80xi32, #tpu.memory_space<hbm>>) dst(%arg10 : memref<80xi32, #tpu.memory_space<vmem>>)
      "tpu.region"() ({
        %run_scoped3A = tpu.sem_alloc : memref<!tpu.dma_semaphore, #tpu.memory_space<semaphore_mem>>
        %dma_start3A_142 = arith.constant 0 : i32
        %dma_start3A_143 = arith.constant 0 : i32
        %dma_start3A_144 = tpu.memref_slice %arg7[%dma_start3A_142, %dma_start3A_143] : memref<10016x128xf32, #tpu.memory_space<vmem_shared>> -> memref<10016x128xf32, #tpu.memory_space<vmem_shared>>
        tpu.enqueue_indirect_dma source(%arg12 : memref<80x128xf32, #tpu.memory_space<vmem>>) target(%dma_start3A_144 : memref<10016x128xf32, #tpu.memory_space<vmem_shared>>) offsets(%arg10 : memref<80xi32, #tpu.memory_space<vmem>>) semaphore(%run_scoped3A : memref<!tpu.dma_semaphore, #tpu.memory_space<semaphore_mem>>) {add = true}
        %dma_wait3A_145 = arith.constant 0 : i32
        %dma_wait3A_146 = arith.constant 0 : i32
        %dma_wait3A_147 = tpu.memref_slice %arg7[%dma_wait3A_145, %dma_wait3A_146] : memref<10016x128xf32, #tpu.memory_space<vmem_shared>> -> memref<10016x128xf32, #tpu.memory_space<vmem_shared>>
        tpu.wait_indirect_dma semaphore(%run_scoped3A : memref<!tpu.dma_semaphore, #tpu.memory_space<semaphore_mem>>) src(%arg12 : memref<80x128xf32, #tpu.memory_space<vmem>>) dst(%dma_wait3A_147 : memref<10016x128xf32, #tpu.memory_space<vmem_shared>>)
        tpu.yield
      }) : () -> ()
      %add3A_122 = arith.constant 3 : i32
      %add3A_123 = arith.addi %mul3A_80, %add3A_122 : i32
      %min3A_124 = arith.constant 124 : i32
      %min3A_125 = arith.minsi %add3A_123, %min3A_124 : i32
      %dma_start3A_126 = arith.constant 0 : i32
      %dma_start3A_127 = tpu.memref_slice %arg8[%min3A_125, %dma_start3A_126] : memref<125x80xi32, #tpu.memory_space<vmem>> -> memref<1x80xi32, #tpu.memory_space<vmem>>
      %dma_start3A_128 = tpu.memref_squeeze %dma_start3A_127 : memref<1x80xi32, #tpu.memory_space<vmem>> -> memref<80xi32, #tpu.memory_space<vmem>>
      %dma_start3A_129 = arith.constant 0 : i32
      %dma_start3A_130 = arith.constant 0 : i32
      %dma_start3A_131 = tpu.memref_slice %arg2[%dma_start3A_129, %dma_start3A_130] : memref<10000x128xf32, #tpu.memory_space<hbm>> -> memref<10000x128xf32, #tpu.memory_space<hbm>>
      tpu.enqueue_indirect_dma source(%dma_start3A_131 : memref<10000x128xf32, #tpu.memory_space<hbm>>) target(%arg12 : memref<80x128xf32, #tpu.memory_space<vmem>>) offsets(%dma_start3A_128 : memref<80xi32, #tpu.memory_space<vmem>>) semaphore(%arg14 : memref<!tpu.dma_semaphore, #tpu.memory_space<semaphore_mem>>)
      %add3A_132 = arith.constant 3 : i32
      %add3A_133 = arith.addi %mul3A_80, %add3A_132 : i32
      %min3A_134 = arith.constant 124 : i32
      %min3A_135 = arith.minsi %add3A_133, %min3A_134 : i32
      %mul3A_136 = arith.constant 80 : i32
      %mul3A_137 = arith.muli %min3A_135, %mul3A_136 : i32
      %add3A_138 = arith.addi %mul3A_2, %mul3A_137 : i32
      %multiple_of3A_139 = tpu.assume_multiple %add3A_138, 8 : i32
      %dma_start3A_140 = tpu.memref_slice %arg4[%multiple_of3A_139] : memref<320000xi32, #tpu.memory_space<hbm>> -> memref<80xi32, #tpu.memory_space<hbm>>
      %dma_start3A_141 = tpu.memref_slice %arg4[%multiple_of3A_139] : memref<320000xi32, #tpu.memory_space<hbm>> -> memref<80xi32, #tpu.memory_space<hbm>>
      tpu.enqueue_dma source(%dma_start3A_141 : memref<80xi32, #tpu.memory_space<hbm>>) target(%arg10 : memref<80xi32, #tpu.memory_space<vmem>>) target_semaphore(%arg16 : memref<!tpu.dma_semaphore, #tpu.memory_space<semaphore_mem>>)
    }
    %scan3A_49 = arith.constant 62 : i32
    %dma_wait3A_50 = arith.constant 0 : i32
    %dma_wait3A_51 = arith.constant 0 : i32
    %dma_wait3A_52 = tpu.memref_slice %arg8[%dma_wait3A_50, %dma_wait3A_51] : memref<125x80xi32, #tpu.memory_space<vmem>> -> memref<1x80xi32, #tpu.memory_space<vmem>>
    %dma_wait3A_53 = tpu.memref_squeeze %dma_wait3A_52 : memref<1x80xi32, #tpu.memory_space<vmem>> -> memref<80xi32, #tpu.memory_space<vmem>>
    %dma_wait3A_54 = arith.constant 0 : i32
    %dma_wait3A_55 = arith.constant 0 : i32
    %dma_wait3A_56 = tpu.memref_slice %arg2[%dma_wait3A_54, %dma_wait3A_55] : memref<10000x128xf32, #tpu.memory_space<hbm>> -> memref<10000x128xf32, #tpu.memory_space<hbm>>
    tpu.wait_indirect_dma semaphore(%arg13 : memref<!tpu.dma_semaphore, #tpu.memory_space<semaphore_mem>>) src(%dma_wait3A_56 : memref<10000x128xf32, #tpu.memory_space<hbm>>) dst(%arg11 : memref<80x128xf32, #tpu.memory_space<vmem>>)
    %dma_wait3A_57 = arith.constant 0 : i32
    %dma_wait3A_58 = tpu.memref_slice %arg4[%dma_wait3A_57] : memref<320000xi32, #tpu.memory_space<hbm>> -> memref<80xi32, #tpu.memory_space<hbm>>
    %dma_wait3A_59 = arith.constant 0 : i32
    %dma_wait3A_60 = tpu.memref_slice %arg4[%dma_wait3A_59] : memref<320000xi32, #tpu.memory_space<hbm>> -> memref<80xi32, #tpu.memory_space<hbm>>
    tpu.wait_dma2 semaphore(%arg15 : memref<!tpu.dma_semaphore, #tpu.memory_space<semaphore_mem>>) src(%dma_wait3A_60 : memref<80xi32, #tpu.memory_space<hbm>>) dst(%arg9 : memref<80xi32, #tpu.memory_space<vmem>>)
    "tpu.region"() ({
      %run_scoped3A = tpu.sem_alloc : memref<!tpu.dma_semaphore, #tpu.memory_space<semaphore_mem>>
      %dma_start3A_78 = arith.constant 0 : i32
      %dma_start3A_79 = arith.constant 0 : i32
      %dma_start3A_80 = tpu.memref_slice %arg7[%dma_start3A_78, %dma_start3A_79] : memref<10016x128xf32, #tpu.memory_space<vmem_shared>> -> memref<10016x128xf32, #tpu.memory_space<vmem_shared>>
      tpu.enqueue_indirect_dma source(%arg11 : memref<80x128xf32, #tpu.memory_space<vmem>>) target(%dma_start3A_80 : memref<10016x128xf32, #tpu.memory_space<vmem_shared>>) offsets(%arg9 : memref<80xi32, #tpu.memory_space<vmem>>) semaphore(%run_scoped3A : memref<!tpu.dma_semaphore, #tpu.memory_space<semaphore_mem>>) {add = true}
      %dma_wait3A_81 = arith.constant 0 : i32
      %dma_wait3A_82 = arith.constant 0 : i32
      %dma_wait3A_83 = tpu.memref_slice %arg7[%dma_wait3A_81, %dma_wait3A_82] : memref<10016x128xf32, #tpu.memory_space<vmem_shared>> -> memref<10016x128xf32, #tpu.memory_space<vmem_shared>>
      tpu.wait_indirect_dma semaphore(%run_scoped3A : memref<!tpu.dma_semaphore, #tpu.memory_space<semaphore_mem>>) src(%arg11 : memref<80x128xf32, #tpu.memory_space<vmem>>) dst(%dma_wait3A_83 : memref<10016x128xf32, #tpu.memory_space<vmem_shared>>)
      tpu.yield
    }) : () -> ()
    %dma_wait3A_61 = arith.constant 0 : i32
    %dma_wait3A_62 = arith.constant 0 : i32
    %dma_wait3A_63 = tpu.memref_slice %arg8[%dma_wait3A_61, %dma_wait3A_62] : memref<125x80xi32, #tpu.memory_space<vmem>> -> memref<1x80xi32, #tpu.memory_space<vmem>>
    %dma_wait3A_64 = tpu.memref_squeeze %dma_wait3A_63 : memref<1x80xi32, #tpu.memory_space<vmem>> -> memref<80xi32, #tpu.memory_space<vmem>>
    %dma_wait3A_65 = arith.constant 0 : i32
    %dma_wait3A_66 = arith.constant 0 : i32
    %dma_wait3A_67 = tpu.memref_slice %arg2[%dma_wait3A_65, %dma_wait3A_66] : memref<10000x128xf32, #tpu.memory_space<hbm>> -> memref<10000x128xf32, #tpu.memory_space<hbm>>
    tpu.wait_indirect_dma semaphore(%arg14 : memref<!tpu.dma_semaphore, #tpu.memory_space<semaphore_mem>>) src(%dma_wait3A_67 : memref<10000x128xf32, #tpu.memory_space<hbm>>) dst(%arg12 : memref<80x128xf32, #tpu.memory_space<vmem>>)
    %dma_wait3A_68 = arith.constant 0 : i32
    %dma_wait3A_69 = tpu.memref_slice %arg4[%dma_wait3A_68] : memref<320000xi32, #tpu.memory_space<hbm>> -> memref<80xi32, #tpu.memory_space<hbm>>
    %dma_wait3A_70 = arith.constant 0 : i32
    %dma_wait3A_71 = tpu.memref_slice %arg4[%dma_wait3A_70] : memref<320000xi32, #tpu.memory_space<hbm>> -> memref<80xi32, #tpu.memory_space<hbm>>
    tpu.wait_dma2 semaphore(%arg16 : memref<!tpu.dma_semaphore, #tpu.memory_space<semaphore_mem>>) src(%dma_wait3A_71 : memref<80xi32, #tpu.memory_space<hbm>>) dst(%arg10 : memref<80xi32, #tpu.memory_space<vmem>>)
    %barrier3A_72 = arith.constant 0 : index
    tpu.barrier barrier_id(%barrier3A_72)
    "tpu.region"() ({
      %run_scoped3A = tpu.sem_alloc : memref<!tpu.dma_semaphore, #tpu.memory_space<semaphore_mem>>
      %dma_start3A_78 = arith.constant 0 : i32
      %dma_start3A_79 = tpu.memref_slice %arg6[%arg0, %multiple_of3A, %dma_start3A_78] : memref<2x10000x128xf32, #tpu.memory_space<hbm>> -> memref<1x624x128xf32, #tpu.memory_space<hbm>>
      %dma_start3A_80 = tpu.memref_squeeze %dma_start3A_79 : memref<1x624x128xf32, #tpu.memory_space<hbm>> -> memref<624x128xf32, #tpu.memory_space<hbm>>
      %dma_start3A_81 = arith.constant 0 : i32
      %dma_start3A_82 = tpu.memref_slice %arg7[%multiple_of3A, %dma_start3A_81] : memref<10016x128xf32, #tpu.memory_space<vmem_shared>> -> memref<624x128xf32, #tpu.memory_space<vmem_shared>>
      tpu.enqueue_dma source(%dma_start3A_82 : memref<624x128xf32, #tpu.memory_space<vmem_shared>>) target(%dma_start3A_80 : memref<624x128xf32, #tpu.memory_space<hbm>>) target_semaphore(%run_scoped3A : memref<!tpu.dma_semaphore, #tpu.memory_space<semaphore_mem>>)
      %dma_wait3A_83 = arith.constant 0 : i32
      %dma_wait3A_84 = tpu.memref_slice %arg6[%arg0, %multiple_of3A, %dma_wait3A_83] : memref<2x10000x128xf32, #tpu.memory_space<hbm>> -> memref<1x624x128xf32, #tpu.memory_space<hbm>>
      %dma_wait3A_85 = tpu.memref_squeeze %dma_wait3A_84 : memref<1x624x128xf32, #tpu.memory_space<hbm>> -> memref<624x128xf32, #tpu.memory_space<hbm>>
      %dma_wait3A_86 = arith.constant 0 : i32
      %dma_wait3A_87 = tpu.memref_slice %arg7[%multiple_of3A, %dma_wait3A_86] : memref<10016x128xf32, #tpu.memory_space<vmem_shared>> -> memref<624x128xf32, #tpu.memory_space<vmem_shared>>
      tpu.wait_dma2 semaphore(%run_scoped3A : memref<!tpu.dma_semaphore, #tpu.memory_space<semaphore_mem>>) src(%dma_wait3A_87 : memref<624x128xf32, #tpu.memory_space<vmem_shared>>) dst(%dma_wait3A_85 : memref<624x128xf32, #tpu.memory_space<hbm>>)
      tpu.yield
    }) : () -> ()
    %eq3A_73 = arith.constant 15 : i32
    %eq3A_74 = arith.cmpi eq, %arg1, %eq3A_73 : i32
    %convert_element_type3A_75 = arith.extui %eq3A_74 : i1 to i32
    %cond3A_76 = arith.constant 0 : i32
    %cond3A_77 = arith.cmpi ne, %convert_element_type3A_75, %cond3A_76 : i32
    scf.if %cond3A_77 {
      "tpu.region"() ({
        %run_scoped3A = tpu.sem_alloc : memref<!tpu.dma_semaphore, #tpu.memory_space<semaphore_mem>>
        %dma_start3A_78 = arith.constant 9984 : i32
        %dma_start3A_79 = arith.constant 0 : i32
        %dma_start3A_80 = tpu.memref_slice %arg6[%arg0, %dma_start3A_78, %dma_start3A_79] : memref<2x10000x128xf32, #tpu.memory_space<hbm>> -> memref<1x16x128xf32, #tpu.memory_space<hbm>>
        %dma_start3A_81 = tpu.memref_squeeze %dma_start3A_80 : memref<1x16x128xf32, #tpu.memory_space<hbm>> -> memref<16x128xf32, #tpu.memory_space<hbm>>
        %dma_start3A_82 = arith.constant 9984 : i32
        %dma_start3A_83 = arith.constant 0 : i32
        %dma_start3A_84 = tpu.memref_slice %arg7[%dma_start3A_82, %dma_start3A_83] : memref<10016x128xf32, #tpu.memory_space<vmem_shared>> -> memref<16x128xf32, #tpu.memory_space<vmem_shared>>
        tpu.enqueue_dma source(%dma_start3A_84 : memref<16x128xf32, #tpu.memory_space<vmem_shared>>) target(%dma_start3A_81 : memref<16x128xf32, #tpu.memory_space<hbm>>) target_semaphore(%run_scoped3A : memref<!tpu.dma_semaphore, #tpu.memory_space<semaphore_mem>>)
        %dma_wait3A_85 = arith.constant 9984 : i32
        %dma_wait3A_86 = arith.constant 0 : i32
        %dma_wait3A_87 = tpu.memref_slice %arg6[%arg0, %dma_wait3A_85, %dma_wait3A_86] : memref<2x10000x128xf32, #tpu.memory_space<hbm>> -> memref<1x16x128xf32, #tpu.memory_space<hbm>>
        %dma_wait3A_88 = tpu.memref_squeeze %dma_wait3A_87 : memref<1x16x128xf32, #tpu.memory_space<hbm>> -> memref<16x128xf32, #tpu.memory_space<hbm>>
        %dma_wait3A_89 = arith.constant 9984 : i32
        %dma_wait3A_90 = arith.constant 0 : i32
        %dma_wait3A_91 = tpu.memref_slice %arg7[%dma_wait3A_89, %dma_wait3A_90] : memref<10016x128xf32, #tpu.memory_space<vmem_shared>> -> memref<16x128xf32, #tpu.memory_space<vmem_shared>>
        tpu.wait_dma2 semaphore(%run_scoped3A : memref<!tpu.dma_semaphore, #tpu.memory_space<semaphore_mem>>) src(%dma_wait3A_91 : memref<16x128xf32, #tpu.memory_space<vmem_shared>>) dst(%dma_wait3A_88 : memref<16x128xf32, #tpu.memory_space<hbm>>)
        tpu.yield
      }) : () -> ()
    } else {
    }
    return
  }
}

module attributes {stable_mosaic.version = 14 : i64} {
  func.func @body(%arg0: i32, %arg1: memref<1xf32, #tpu.memory_space<smem>>, %arg2: memref<2000x128xf32, #tpu.memory_space<vmem>>, %arg3: memref<1x2000x128xf32, #tpu.memory_space<vmem>>, %arg4: memref<1x2000x128xf32, #tpu.memory_space<vmem>>, %arg5: memref<128x128xf32, #tpu.memory_space<vmem>>, %arg6: memref<1x128xf32, #tpu.memory_space<vmem>>, %arg7: memref<128x128xf32, #tpu.memory_space<vmem>>, %arg8: memref<1x128xf32, #tpu.memory_space<vmem>>, %arg9: memref<2000x128xf32, #tpu.memory_space<vmem>>) attributes {dimension_semantics = [#tpu.dimension_semantics<arbitrary>], iteration_bounds = array<i64: 5>, scalar_prefetch = 0 : i64, scratch_operands = 0 : i64, tpu.core_type = #tpu.core_type<tc>, window_params = [{transform_indices = @transform_0, window_bounds = array<i64: 1>}, {transform_indices = @transform_1, window_bounds = array<i64: 2000, 128>}, {transform_indices = @transform_2, window_bounds = array<i64: 1, 2000, 128>}, {transform_indices = @transform_3, window_bounds = array<i64: 1, 2000, 128>}, {pipeline_mode = #tpu.pipeline_mode<synchronous>, transform_indices = @transform_4, window_bounds = array<i64: 128, 128>}, {pipeline_mode = #tpu.pipeline_mode<synchronous>, transform_indices = @transform_5, window_bounds = array<i64: 1, 128>}, {pipeline_mode = #tpu.pipeline_mode<synchronous>, transform_indices = @transform_6, window_bounds = array<i64: 128, 128>}, {pipeline_mode = #tpu.pipeline_mode<synchronous>, transform_indices = @transform_7, window_bounds = array<i64: 1, 128>}, {transform_indices = @transform_8, window_bounds = array<i64: 2000, 128>}]} {
    %get3A = arith.constant 0 : index
    %get3A_0 = memref.load %arg1[%get3A] : memref<1xf32, #tpu.memory_space<smem>>
    %add3A = arith.constant 1.000000e+00 : f32
    %add3A_1 = arith.addf %add3A, %get3A_0 : f32
    %get3A_2 = arith.constant 0 : index
    %get3A_3 = arith.constant 0 : index
    %get3A_4 = vector.load %arg2[%get3A_2, %get3A_3] : memref<2000x128xf32, #tpu.memory_space<vmem>>, vector<2000x128xf32>
    %mul3A = vector.broadcast %add3A_1 : f32 to vector<2000x128xf32>
    %mul3A_5 = arith.mulf %mul3A, %get3A_4 : vector<2000x128xf32>
    %get3A_6 = arith.constant 0 : index
    %get3A_7 = arith.constant 0 : index
    %get3A_8 = arith.constant 0 : index
    %get3A_9 = vector.load %arg3[%get3A_6, %get3A_7, %get3A_8] : memref<1x2000x128xf32, #tpu.memory_space<vmem>>, vector<1x2000x128xf32>
    %get3A_10 = vector.shape_cast %get3A_9 : vector<1x2000x128xf32> to vector<2000x128xf32>
    %add3A_11 = arith.addf %mul3A_5, %get3A_10 : vector<2000x128xf32>
    %get3A_12 = arith.constant 0 : index
    %get3A_13 = arith.constant 0 : index
    %get3A_14 = arith.constant 0 : index
    %get3A_15 = vector.load %arg4[%get3A_12, %get3A_13, %get3A_14] : memref<1x2000x128xf32, #tpu.memory_space<vmem>>, vector<1x2000x128xf32>
    %get3A_16 = vector.shape_cast %get3A_15 : vector<1x2000x128xf32> to vector<2000x128xf32>
    %add3A_17 = arith.addf %add3A_11, %get3A_16 : vector<2000x128xf32>
    %get3A_18 = arith.constant 0 : index
    %get3A_19 = arith.constant 0 : index
    %get3A_20 = vector.load %arg5[%get3A_18, %get3A_19] : memref<128x128xf32, #tpu.memory_space<vmem>>, vector<128x128xf32>
    %dot_general3A = arith.constant dense<0.000000e+00> : vector<2000x128xf32>
    %dot_general3A_21 = tpu.matmul %add3A_17, %get3A_20, %dot_general3A {dimension_numbers = #tpu.dot_dimension_numbers<[1], [0], [0], [1], [0, 0, 1, 1], [], []>, transpose_lhs_hint = false} : vector<2000x128xf32>, vector<128x128xf32>, vector<2000x128xf32> -> vector<2000x128xf32>
    %get3A_22 = arith.constant 0 : index
    %get3A_23 = arith.constant 0 : index
    %get3A_24 = vector.load %arg6[%get3A_22, %get3A_23] : memref<1x128xf32, #tpu.memory_space<vmem>>, vector<1x128xf32>
    %add3A_25 = vector.broadcast %get3A_24 : vector<1x128xf32> to vector<2000x128xf32>
    %add3A_26 = arith.addf %dot_general3A_21, %add3A_25 : vector<2000x128xf32>
    %max3A = arith.constant 0.000000e+00 : f32
    %max3A_27 = vector.broadcast %max3A : f32 to vector<2000x128xf32>
    %max3A_28 = arith.maximumf %add3A_26, %max3A_27 : vector<2000x128xf32>
    %get3A_29 = arith.constant 0 : index
    %get3A_30 = arith.constant 0 : index
    %get3A_31 = vector.load %arg7[%get3A_29, %get3A_30] : memref<128x128xf32, #tpu.memory_space<vmem>>, vector<128x128xf32>
    %dot_general3A_32 = arith.constant dense<0.000000e+00> : vector<2000x128xf32>
    %dot_general3A_33 = tpu.matmul %max3A_28, %get3A_31, %dot_general3A_32 {dimension_numbers = #tpu.dot_dimension_numbers<[1], [0], [0], [1], [0, 0, 1, 1], [], []>, transpose_lhs_hint = false} : vector<2000x128xf32>, vector<128x128xf32>, vector<2000x128xf32> -> vector<2000x128xf32>
    %get3A_34 = arith.constant 0 : index
    %get3A_35 = arith.constant 0 : index
    %get3A_36 = vector.load %arg8[%get3A_34, %get3A_35] : memref<1x128xf32, #tpu.memory_space<vmem>>, vector<1x128xf32>
    %add3A_37 = vector.broadcast %get3A_36 : vector<1x128xf32> to vector<2000x128xf32>
    %add3A_38 = arith.addf %dot_general3A_33, %add3A_37 : vector<2000x128xf32>
    %max3A_39 = arith.constant 0.000000e+00 : f32
    %max3A_40 = vector.broadcast %max3A_39 : f32 to vector<2000x128xf32>
    %max3A_41 = arith.maximumf %add3A_38, %max3A_40 : vector<2000x128xf32>
    %swap3A = arith.constant 0 : index
    %swap3A_42 = arith.constant 0 : index
    %swap3A_43 = vector.load %arg9[%swap3A, %swap3A_42] : memref<2000x128xf32, #tpu.memory_space<vmem>>, vector<2000x128xf32>
    tpu.vector_store %arg9[%swap3A, %swap3A_42], %max3A_41 {strides = array<i32>} : memref<2000x128xf32, #tpu.memory_space<vmem>>, vector<2000x128xf32>,
    return
  }
  func.func @transform_0(%arg0: i32) -> i32 {
    %c0_i32 = arith.constant 0 : i32
    %c0_i32_0 = arith.constant 0 : i32
    return %c0_i32 : i32
  }
  func.func @transform_1(%arg0: i32) -> (i32, i32) {
    %c0_i32 = arith.constant 0 : i32
    %c0_i32_0 = arith.constant 0 : i32
    return %arg0, %c0_i32 : i32, i32
  }
  func.func @transform_2(%arg0: i32) -> (i32, i32, i32) {
    %c0_i32 = arith.constant 0 : i32
    %c0_i32_0 = arith.constant 0 : i32
    %c0_i32_1 = arith.constant 0 : i32
    return %c0_i32, %arg0, %c0_i32_0 : i32, i32, i32
  }
  func.func @transform_3(%arg0: i32) -> (i32, i32, i32) {
    %c1_i32 = arith.constant 1 : i32
    %c0_i32 = arith.constant 0 : i32
    %c0_i32_0 = arith.constant 0 : i32
    return %c1_i32, %arg0, %c0_i32 : i32, i32, i32
  }
  func.func @transform_4(%arg0: i32) -> (i32, i32) {
    %c0_i32 = arith.constant 0 : i32
    %c0_i32_0 = arith.constant 0 : i32
    %c0_i32_1 = arith.constant 0 : i32
    return %c0_i32, %c0_i32_0 : i32, i32
  }
  func.func @transform_5(%arg0: i32) -> (i32, i32) {
    %c0_i32 = arith.constant 0 : i32
    %c0_i32_0 = arith.constant 0 : i32
    %c0_i32_1 = arith.constant 0 : i32
    return %c0_i32, %c0_i32_0 : i32, i32
  }
  func.func @transform_6(%arg0: i32) -> (i32, i32) {
    %c0_i32 = arith.constant 0 : i32
    %c0_i32_0 = arith.constant 0 : i32
    %c0_i32_1 = arith.constant 0 : i32
    return %c0_i32, %c0_i32_0 : i32, i32
  }
  func.func @transform_7(%arg0: i32) -> (i32, i32) {
    %c0_i32 = arith.constant 0 : i32
    %c0_i32_0 = arith.constant 0 : i32
    %c0_i32_1 = arith.constant 0 : i32
    return %c0_i32, %c0_i32_0 : i32, i32
  }
  func.func @transform_8(%arg0: i32) -> (i32, i32) {
    %c0_i32 = arith.constant 0 : i32
    %c0_i32_0 = arith.constant 0 : i32
    return %arg0, %c0_i32 : i32, i32
  }
}

module attributes {stable_mosaic.version = 14 : i64} {
  func.func @body(%arg0: i32, %arg1: memref<1xf32, #tpu.memory_space<smem>>, %arg2: memref<2000x128xf32, #tpu.memory_space<vmem>>, %arg3: memref<1x2000x128xf32, #tpu.memory_space<vmem>>, %arg4: memref<1x2000x128xf32, #tpu.memory_space<vmem>>, %arg5: memref<128x128xf32, #tpu.memory_space<vmem>>, %arg6: memref<1x128xf32, #tpu.memory_space<vmem>>, %arg7: memref<128x128xf32, #tpu.memory_space<vmem>>, %arg8: memref<1x128xf32, #tpu.memory_space<vmem>>, %arg9: memref<1x1x2000xi32, #tpu.memory_space<vmem>>, %arg10: memref<256x128xf32, #tpu.memory_space<vmem>>, %arg11: memref<256x128xf32, #tpu.memory_space<vmem>>, %arg12: memref<256x128xf32, #tpu.memory_space<vmem>>, %arg13: memref<256x1xf32, #tpu.memory_space<vmem>>) attributes {dimension_semantics = [#tpu.dimension_semantics<arbitrary>], iteration_bounds = array<i64: 5>, scalar_prefetch = 0 : i64, scratch_operands = 2 : i64, tpu.core_type = #tpu.core_type<tc>, window_params = [{transform_indices = @transform_0, window_bounds = array<i64: 1>}, {transform_indices = @transform_1, window_bounds = array<i64: 2000, 128>}, {transform_indices = @transform_2, window_bounds = array<i64: 1, 2000, 128>}, {transform_indices = @transform_3, window_bounds = array<i64: 1, 2000, 128>}, {pipeline_mode = #tpu.pipeline_mode<synchronous>, transform_indices = @transform_4, window_bounds = array<i64: 128, 128>}, {pipeline_mode = #tpu.pipeline_mode<synchronous>, transform_indices = @transform_5, window_bounds = array<i64: 1, 128>}, {pipeline_mode = #tpu.pipeline_mode<synchronous>, transform_indices = @transform_6, window_bounds = array<i64: 128, 128>}, {pipeline_mode = #tpu.pipeline_mode<synchronous>, transform_indices = @transform_7, window_bounds = array<i64: 1, 128>}, {transform_indices = @transform_8, window_bounds = array<i64: 1, 1, 2000>}, {pipeline_mode = #tpu.pipeline_mode<synchronous>, transform_indices = @transform_9, window_bounds = array<i64: 256, 128>}, {pipeline_mode = #tpu.pipeline_mode<synchronous>, transform_indices = @transform_10, window_bounds = array<i64: 256, 128>}]} {
    %get3A = arith.constant 0 : index
    %get3A_0 = memref.load %arg1[%get3A] : memref<1xf32, #tpu.memory_space<smem>>
    %add3A = arith.constant 1.000000e+00 : f32
    %add3A_1 = arith.addf %add3A, %get3A_0 : f32
    %get3A_2 = arith.constant 0 : index
    %get3A_3 = arith.constant 0 : index
    %get3A_4 = vector.load %arg2[%get3A_2, %get3A_3] : memref<2000x128xf32, #tpu.memory_space<vmem>>, vector<2000x128xf32>
    %mul3A = vector.broadcast %add3A_1 : f32 to vector<2000x128xf32>
    %mul3A_5 = arith.mulf %mul3A, %get3A_4 : vector<2000x128xf32>
    %get3A_6 = arith.constant 0 : index
    %get3A_7 = arith.constant 0 : index
    %get3A_8 = arith.constant 0 : index
    %get3A_9 = vector.load %arg3[%get3A_6, %get3A_7, %get3A_8] : memref<1x2000x128xf32, #tpu.memory_space<vmem>>, vector<1x2000x128xf32>
    %get3A_10 = vector.shape_cast %get3A_9 : vector<1x2000x128xf32> to vector<2000x128xf32>
    %add3A_11 = arith.addf %mul3A_5, %get3A_10 : vector<2000x128xf32>
    %get3A_12 = arith.constant 0 : index
    %get3A_13 = arith.constant 0 : index
    %get3A_14 = arith.constant 0 : index
    %get3A_15 = vector.load %arg4[%get3A_12, %get3A_13, %get3A_14] : memref<1x2000x128xf32, #tpu.memory_space<vmem>>, vector<1x2000x128xf32>
    %get3A_16 = vector.shape_cast %get3A_15 : vector<1x2000x128xf32> to vector<2000x128xf32>
    %add3A_17 = arith.addf %add3A_11, %get3A_16 : vector<2000x128xf32>
    %get3A_18 = arith.constant 0 : index
    %get3A_19 = arith.constant 0 : index
    %get3A_20 = vector.load %arg5[%get3A_18, %get3A_19] : memref<128x128xf32, #tpu.memory_space<vmem>>, vector<128x128xf32>
    %dot_general3A = arith.constant dense<0.000000e+00> : vector<2000x128xf32>
    %dot_general3A_21 = tpu.matmul %add3A_17, %get3A_20, %dot_general3A {dimension_numbers = #tpu.dot_dimension_numbers<[1], [0], [0], [1], [0, 0, 1, 1], [], []>, transpose_lhs_hint = false} : vector<2000x128xf32>, vector<128x128xf32>, vector<2000x128xf32> -> vector<2000x128xf32>
    %get3A_22 = arith.constant 0 : index
    %get3A_23 = arith.constant 0 : index
    %get3A_24 = vector.load %arg6[%get3A_22, %get3A_23] : memref<1x128xf32, #tpu.memory_space<vmem>>, vector<1x128xf32>
    %add3A_25 = vector.broadcast %get3A_24 : vector<1x128xf32> to vector<2000x128xf32>
    %add3A_26 = arith.addf %dot_general3A_21, %add3A_25 : vector<2000x128xf32>
    %max3A = arith.constant 0.000000e+00 : f32
    %max3A_27 = vector.broadcast %max3A : f32 to vector<2000x128xf32>
    %max3A_28 = arith.maximumf %add3A_26, %max3A_27 : vector<2000x128xf32>
    %get3A_29 = arith.constant 0 : index
    %get3A_30 = arith.constant 0 : index
    %get3A_31 = vector.load %arg7[%get3A_29, %get3A_30] : memref<128x128xf32, #tpu.memory_space<vmem>>, vector<128x128xf32>
    %dot_general3A_32 = arith.constant dense<0.000000e+00> : vector<2000x128xf32>
    %dot_general3A_33 = tpu.matmul %max3A_28, %get3A_31, %dot_general3A_32 {dimension_numbers = #tpu.dot_dimension_numbers<[1], [0], [0], [1], [0, 0, 1, 1], [], []>, transpose_lhs_hint = false} : vector<2000x128xf32>, vector<128x128xf32>, vector<2000x128xf32> -> vector<2000x128xf32>
    %get3A_34 = arith.constant 0 : index
    %get3A_35 = arith.constant 0 : index
    %get3A_36 = vector.load %arg8[%get3A_34, %get3A_35] : memref<1x128xf32, #tpu.memory_space<vmem>>, vector<1x128xf32>
    %add3A_37 = vector.broadcast %get3A_36 : vector<1x128xf32> to vector<2000x128xf32>
    %add3A_38 = arith.addf %dot_general3A_33, %add3A_37 : vector<2000x128xf32>
    %get3A_39 = arith.constant 0 : index
    %get3A_40 = arith.constant 0 : index
    %get3A_41 = arith.constant 0 : index
    %get3A_42 = vector.load %arg9[%get3A_39, %get3A_40, %get3A_41] : memref<1x1x2000xi32, #tpu.memory_space<vmem>>, vector<1x1x2000xi32>
    %get3A_43 = vector.shape_cast %get3A_42 : vector<1x1x2000xi32> to vector<2000xi32>
    %reshape3A = vector.shape_cast %get3A_43 : vector<2000xi32> to vector<2000x1xi32>
    %iota3A = tpu.iota {dimensions = array<i32: 1>} : vector<1x256xi32>
    %eq3A = vector.broadcast %reshape3A : vector<2000x1xi32> to vector<2000x256xi32>
    %eq3A_44 = vector.broadcast %iota3A : vector<1x256xi32> to vector<2000x256xi32>
    %eq3A_45 = arith.cmpi eq, %eq3A, %eq3A_44 : vector<2000x256xi32>
    %convert_element_type3A = arith.extui %eq3A_45 : vector<2000x256xi1> to vector<2000x256xi32>
    %convert_element_type3A_46 = arith.sitofp %convert_element_type3A : vector<2000x256xi32> to vector<2000x256xf32>
    %dot_general3A_47 = arith.constant dense<0.000000e+00> : vector<256x128xf32>
    %dot_general3A_48 = tpu.matmul %convert_element_type3A_46, %add3A_38, %dot_general3A_47 {dimension_numbers = #tpu.dot_dimension_numbers<[0], [0], [1], [1], [0, 1, 1, 1], [], []>, transpose_lhs_hint = false} : vector<2000x256xf32>, vector<2000x128xf32>, vector<256x128xf32> -> vector<256x128xf32>
    %reduce_sum3A = arith.constant dense<0.000000e+00> : vector<256xf32>
    %reduce_sum3A_49 = vector.multi_reduction <add>, %convert_element_type3A_46, %reduce_sum3A [0] : vector<2000x256xf32> to vector<256xf32>
    %reshape3A_50 = vector.shape_cast %reduce_sum3A_49 : vector<256xf32> to vector<256x1xf32>
    %eq3A_51 = arith.constant 0 : i32
    %eq3A_52 = arith.cmpi eq, %arg0, %eq3A_51 : i32
    %convert_element_type3A_53 = arith.extui %eq3A_52 : i1 to i32
    %cond3A = arith.constant 0 : i32
    %cond3A_54 = arith.cmpi ne, %convert_element_type3A_53, %cond3A : i32
    scf.if %cond3A_54 {
      %swap3A = arith.constant 0 : index
      %swap3A_64 = arith.constant 0 : index
      %swap3A_65 = vector.load %arg12[%swap3A, %swap3A_64] : memref<256x128xf32, #tpu.memory_space<vmem>>, vector<256x128xf32>
      tpu.vector_store %arg12[%swap3A, %swap3A_64], %dot_general3A_48 {strides = array<i32>} : memref<256x128xf32, #tpu.memory_space<vmem>>, vector<256x128xf32>,
      %swap3A_66 = arith.constant 0 : index
      %swap3A_67 = arith.constant 0 : index
      %swap3A_68 = vector.load %arg13[%swap3A_66, %swap3A_67] : memref<256x1xf32, #tpu.memory_space<vmem>>, vector<256x1xf32>
      tpu.vector_store %arg13[%swap3A_66, %swap3A_67], %reshape3A_50 {strides = array<i32>} : memref<256x1xf32, #tpu.memory_space<vmem>>, vector<256x1xf32>,
    } else {
    }
    %gt3A = arith.constant 0 : i32
    %gt3A_55 = arith.cmpi sgt, %arg0, %gt3A : i32
    %convert_element_type3A_56 = arith.extui %gt3A_55 : i1 to i32
    %cond3A_57 = arith.constant 0 : i32
    %cond3A_58 = arith.cmpi ne, %convert_element_type3A_56, %cond3A_57 : i32
    scf.if %cond3A_58 {
      %get3A_64 = arith.constant 0 : index
      %get3A_65 = arith.constant 0 : index
      %get3A_66 = vector.load %arg12[%get3A_64, %get3A_65] : memref<256x128xf32, #tpu.memory_space<vmem>>, vector<256x128xf32>
      %add3A_67 = arith.addf %get3A_66, %dot_general3A_48 : vector<256x128xf32>
      %swap3A = arith.constant 0 : index
      %swap3A_68 = arith.constant 0 : index
      %swap3A_69 = vector.load %arg12[%swap3A, %swap3A_68] : memref<256x128xf32, #tpu.memory_space<vmem>>, vector<256x128xf32>
      tpu.vector_store %arg12[%swap3A, %swap3A_68], %add3A_67 {strides = array<i32>} : memref<256x128xf32, #tpu.memory_space<vmem>>, vector<256x128xf32>,
      %get3A_70 = arith.constant 0 : index
      %get3A_71 = arith.constant 0 : index
      %get3A_72 = vector.load %arg13[%get3A_70, %get3A_71] : memref<256x1xf32, #tpu.memory_space<vmem>>, vector<256x1xf32>
      %add3A_73 = arith.addf %get3A_72, %reshape3A_50 : vector<256x1xf32>
      %swap3A_74 = arith.constant 0 : index
      %swap3A_75 = arith.constant 0 : index
      %swap3A_76 = vector.load %arg13[%swap3A_74, %swap3A_75] : memref<256x1xf32, #tpu.memory_space<vmem>>, vector<256x1xf32>
      tpu.vector_store %arg13[%swap3A_74, %swap3A_75], %add3A_73 {strides = array<i32>} : memref<256x1xf32, #tpu.memory_space<vmem>>, vector<256x1xf32>,
    } else {
    }
    %eq3A_59 = arith.constant 4 : i32
    %eq3A_60 = arith.cmpi eq, %arg0, %eq3A_59 : i32
    %convert_element_type3A_61 = arith.extui %eq3A_60 : i1 to i32
    %cond3A_62 = arith.constant 0 : i32
    %cond3A_63 = arith.cmpi ne, %convert_element_type3A_61, %cond3A_62 : i32
    scf.if %cond3A_63 {
      %get3A_64 = arith.constant 0 : index
      %get3A_65 = arith.constant 0 : index
      %get3A_66 = vector.load %arg12[%get3A_64, %get3A_65] : memref<256x128xf32, #tpu.memory_space<vmem>>, vector<256x128xf32>
      %get3A_67 = arith.constant 0 : index
      %get3A_68 = arith.constant 0 : index
      %get3A_69 = vector.load %arg13[%get3A_67, %get3A_68] : memref<256x1xf32, #tpu.memory_space<vmem>>, vector<256x1xf32>
      %max3A_70 = arith.constant 1.000000e+00 : f32
      %max3A_71 = vector.broadcast %max3A_70 : f32 to vector<256x1xf32>
      %max3A_72 = arith.maximumf %get3A_69, %max3A_71 : vector<256x1xf32>
      %div3A = vector.broadcast %max3A_72 : vector<256x1xf32> to vector<256x128xf32>
      %div3A_73 = arith.divf %get3A_66, %div3A : vector<256x128xf32>
      %swap3A = arith.constant 0 : index
      %swap3A_74 = arith.constant 0 : index
      %swap3A_75 = vector.load %arg10[%swap3A, %swap3A_74] : memref<256x128xf32, #tpu.memory_space<vmem>>, vector<256x128xf32>
      tpu.vector_store %arg10[%swap3A, %swap3A_74], %div3A_73 {strides = array<i32>} : memref<256x128xf32, #tpu.memory_space<vmem>>, vector<256x128xf32>,
      %logistic3A = arith.negf %div3A_73 : vector<256x128xf32>
      %logistic3A_76 = math.exp %logistic3A : vector<256x128xf32>
      %logistic3A_77 = arith.constant 1.000000e+00 : f32
      %logistic3A_78 = vector.broadcast %logistic3A_77 : f32 to vector<256x128xf32>
      %logistic3A_79 = arith.addf %logistic3A_78, %logistic3A_76 : vector<256x128xf32>
      %logistic3A_80 = arith.divf %logistic3A_78, %logistic3A_79 : vector<256x128xf32>
      %swap3A_81 = arith.constant 0 : index
      %swap3A_82 = arith.constant 0 : index
      %swap3A_83 = vector.load %arg11[%swap3A_81, %swap3A_82] : memref<256x128xf32, #tpu.memory_space<vmem>>, vector<256x128xf32>
      tpu.vector_store %arg11[%swap3A_81, %swap3A_82], %logistic3A_80 {strides = array<i32>} : memref<256x128xf32, #tpu.memory_space<vmem>>, vector<256x128xf32>,
    } else {
    }
    return
  }
  func.func @transform_0(%arg0: i32) -> i32 {
    %c0_i32 = arith.constant 0 : i32
    %c0_i32_0 = arith.constant 0 : i32
    return %c0_i32 : i32
  }
  func.func @transform_1(%arg0: i32) -> (i32, i32) {
    %c0_i32 = arith.constant 0 : i32
    %c0_i32_0 = arith.constant 0 : i32
    return %arg0, %c0_i32 : i32, i32
  }
  func.func @transform_2(%arg0: i32) -> (i32, i32, i32) {
    %c0_i32 = arith.constant 0 : i32
    %c0_i32_0 = arith.constant 0 : i32
    %c0_i32_1 = arith.constant 0 : i32
    return %c0_i32, %arg0, %c0_i32_0 : i32, i32, i32
  }
  func.func @transform_3(%arg0: i32) -> (i32, i32, i32) {
    %c1_i32 = arith.constant 1 : i32
    %c0_i32 = arith.constant 0 : i32
    %c0_i32_0 = arith.constant 0 : i32
    return %c1_i32, %arg0, %c0_i32 : i32, i32, i32
  }
  func.func @transform_4(%arg0: i32) -> (i32, i32) {
    %c0_i32 = arith.constant 0 : i32
    %c0_i32_0 = arith.constant 0 : i32
    %c0_i32_1 = arith.constant 0 : i32
    return %c0_i32, %c0_i32_0 : i32, i32
  }
  func.func @transform_5(%arg0: i32) -> (i32, i32) {
    %c0_i32 = arith.constant 0 : i32
    %c0_i32_0 = arith.constant 0 : i32
    %c0_i32_1 = arith.constant 0 : i32
    return %c0_i32, %c0_i32_0 : i32, i32
  }
  func.func @transform_6(%arg0: i32) -> (i32, i32) {
    %c0_i32 = arith.constant 0 : i32
    %c0_i32_0 = arith.constant 0 : i32
    %c0_i32_1 = arith.constant 0 : i32
    return %c0_i32, %c0_i32_0 : i32, i32
  }
  func.func @transform_7(%arg0: i32) -> (i32, i32) {
    %c0_i32 = arith.constant 0 : i32
    %c0_i32_0 = arith.constant 0 : i32
    %c0_i32_1 = arith.constant 0 : i32
    return %c0_i32, %c0_i32_0 : i32, i32
  }
  func.func @transform_8(%arg0: i32) -> (i32, i32, i32) {
    %c0_i32 = arith.constant 0 : i32
    %c0_i32_0 = arith.constant 0 : i32
    %c0_i32_1 = arith.constant 0 : i32
    return %arg0, %c0_i32, %c0_i32_0 : i32, i32, i32
  }
  func.func @transform_9(%arg0: i32) -> (i32, i32) {
    %c0_i32 = arith.constant 0 : i32
    %c0_i32_0 = arith.constant 0 : i32
    %c0_i32_1 = arith.constant 0 : i32
    return %c0_i32, %c0_i32_0 : i32, i32
  }
  func.func @transform_10(%arg0: i32) -> (i32, i32) {
    %c0_i32 = arith.constant 0 : i32
    %c0_i32_0 = arith.constant 0 : i32
    %c0_i32_1 = arith.constant 0 : i32
    return %c0_i32, %c0_i32_0 : i32, i32
  }
}

</mosaic_0001>

<sc_bundles>
// kernel: kernel.6.cloned.1.call-start
scs
__scs_entry_jumppad:
0x0: {  	(pc) =	sbr.rel $0x88, $3  }
0x1: {  	(tag) =	ssettag $0x0;
	lr =	simm.s32 $0x1  }
0x2: {  	[smem:$0x3F94] =	sst lr;
	_ =	strace $0xD0000000  }
0x3: {  	_ = 	snop  }
0x4: {  	_ = 	snop  }
0x5: {  	_ = 	snop  }
0x6: {  	_ = 	snop  }
0x7: {  	_ = 	snop  }
__scs_overlays_trampoline_lowered:
0x8: {  	[smem:$0x3FA3] =	sst s0  }
0x9: {  	[smem:$0x3FA4] =	sst s1  }
0xa: {  	[smem:$0x3FA5] =	sst s2  }
0xb: {  	[smem:$0x3FA6] =	sst s3  }
0xc: {  	[smem:$0x3FA7] =	sst s4  }
0xd: {  	[smem:$0x3FA8] =	sst s5  }
0xe: {  	[smem:$0x3FA9] =	sst s6  }
0xf: {  	[smem:$0x3FAA] =	sst s7  }
0x10: {  	[smem:$0x3FAB] =	sst s8  }
0x11: {  	[smem:$0x3FAC] =	sst s9;
	s0 =	simm.s32 @!p0 $0x0  }
0x12: {  	s1 =	sld [smem:$0x3F92];
	s0 =	simm.s32 @p0 $0x1  }
0x13: {  	[smem:$0x3FAD] =	sst s0;
	s0 =	simm.s32 @!p1 $0x0  }
0x14: {  	s2 =	sld [smem:$0x3F91];
	s0 =	simm.s32 @p1 $0x1  }
0x15: {  	[smem:$0x3FAE] =	sst s0;
	s0 =	simm.s32 @!p2 $0x0  }
0x16: {  	s3 =	sld [smem:$0x3FDB];
	s0 =	simm.s32 @p2 $0x1  }
0x17: {  	s4 =	simm.s32 $0x1BF5;
	[smem:$0x3FB0] =	sst s0  }
0x18: {  	s0 =	sld [smem:$0x3F93];
	_ =	swait.ge [sflag:s4], $0x0  }
0x19: {  	s7 =	sld [smem:$0x3F94]  }
0x1a: {  	s8 =	sadd.s32 $0xFFFFE003, lr  }
0x1b: {  	s9 =	sadd.s32 $0xFFFFFEF7, lr;
	s5 =	simm.s32 $0xFFFFFFFF;
	p2 =	slt.u32 s8, $0xFFFFF086  }
0x1c: {  	p1 =	slt.u32 s9, $0xF7A;
	s5 =	simm.s32 @!p2 $0x0  }
0x1d: {  	s5 =	simm.s32 @p1 $0x1;
	p0 =	seq.s32 s7, s2  }
0x1e: {  	s7 =	smul.u32 @!p0 $0xF7A, s2;
	p2 =	seq.s32 @!p0 s5, $0x0  }
0x1f: {  	s9 =	smul.u32 $0xF7A, s1;
	s8 =	simm.s32 @!p0 $0x1BF5;
	p2 =	por !p2, p0  }
0x20: {  	[sflag:s8] =	ssyncset.s32 @!p0 $0xFFFFF086;
	s6 =	sadd.s32 @!p0 s3, s7;
	s7 =	simm.s32 @!p0 $0x108  }
0x21: {  	s3 =	sadd.s32 s3, s9;
	s6 =	sadd.s32 @!p0 $0x88, s6;
	s7 =	simm.s32 @p2 $0x1082  }
0x22: {  	[simem:s7], [sflag:s8] =	dma.local @!p0 [hbm:s6], $0xF7A  }
0x23: {  	s9 =	sor.u32 $0xD0000000, s2;
	s6 =	simm.s32 $0x108;
	_ =	swait.ge @!p0 [sflag:s8], $0x0  }
0x24: {  	s3 =	sadd.s32 $0x88, s3;
	s6 =	simm.s32 @!p1 $0x1082;
	[sflag:s4] =	ssyncset.s32 $0xFFFFF086  }
0x25: {  	[simem:s6], [sflag:s4] =	dma.local [hbm:s3], $0xF7A  }
0x26: {  	[smem:$0x3F94] =	sst s1;
	(tag) =	ssettag s2;
	_ =	strace s9  }
0x27: {  	s1 =	sld [smem:$0x3FA4]  }
0x28: {  	s2 =	sld [smem:$0x3FA5]  }
0x29: {  	s4 =	sld [smem:$0x3FA7]  }
0x2a: {  	p0 =	seq.s32 s5, $0x0;
	s5 =	sld [smem:$0x3FA8]  }
0x2b: {  	s6 =	sld [smem:$0x3FA9]  }
0x2c: {  	s7 =	sld [smem:$0x3FAA]  }
0x2d: {  	s3 =	simm.s32 $0x108;
	s8 =	sld [smem:$0x3FAB]  }
0x2e: {  	s3 =	simm.s32 @!p0 $0x1082;
	s9 =	sld [smem:$0x3FAC]  }
0x2f: {  	lr =	sadd.s32 s0, s3;
	s0 =	sld [smem:$0x3FA3]  }
0x30: {  	s3 =	sld [smem:$0x3FA6]  }
0x31: {  	[smem:$0x3FAF] =	sst s10  }
0x32: {  	s10 =	sld [smem:$0x3FAD];
	_ =	sdelay $0x3  }
0x33: {  	p0 =	seq.s32 s10, $0x1;
	s10 =	sld [smem:$0x3FAF];
	_ =	sdelay $0x3  }
0x34: {  	[smem:$0x3FAF] =	sst s10  }
0x35: {  	s10 =	sld [smem:$0x3FAE];
	_ =	sdelay $0x3  }
0x36: {  	p1 =	seq.s32 s10, $0x1;
	s10 =	sld [smem:$0x3FAF];
	_ =	sdelay $0x3  }
0x37: {  	[smem:$0x3FAF] =	sst s10  }
0x38: {  	s10 =	sld [smem:$0x3FB0]  }
0x39: {  	_ = 	snop;
	(pc) =	sbr.ind lr, $3  }
0x3a: {  	_ = 	snop  }
0x3b: {  	_ = 	snop  }
0x3c: {  	p2 =	seq.s32 s10, $0x1;
	s10 =	sld [smem:$0x3FAF]  }
0x3d: {  	_ =	shalt  }
0x3e: {  	_ =	shalt  }
0x3f: {  	_ =	shalt  }
0x40: {  	_ =	shalt  }
0x41: {  	_ =	shalt  }
0x42: {  	_ =	shalt  }
0x43: {  	_ =	shalt  }
0x44: {  	_ =	shalt  }
0x45: {  	_ =	shalt  }
0x46: {  	_ =	shalt  }
0x47: {  	_ =	shalt  }
0x48: {  	_ =	shalt  }
0x49: {  	_ =	shalt  }
0x4a: {  	_ =	shalt  }
0x4b: {  	_ =	shalt  }
0x4c: {  	_ =	shalt  }
0x4d: {  	_ =	shalt  }
0x4e: {  	_ =	shalt  }
0x4f: {  	_ =	shalt  }
0x50: {  	_ =	shalt  }
0x51: {  	_ =	shalt  }
0x52: {  	_ =	shalt  }
0x53: {  	_ =	shalt  }
0x54: {  	_ =	shalt  }
0x55: {  	_ =	shalt  }
0x56: {  	_ =	shalt  }
0x57: {  	_ =	shalt  }
0x58: {  	_ =	shalt  }
0x59: {  	_ =	shalt  }
0x5a: {  	_ =	shalt  }
0x5b: {  	_ =	shalt  }
0x5c: {  	_ =	shalt  }
0x5d: {  	_ =	shalt  }
0x5e: {  	_ =	shalt  }
0x5f: {  	_ =	shalt  }
0x60: {  	_ =	shalt  }
0x61: {  	_ =	shalt  }
0x62: {  	_ =	shalt  }
0x63: {  	_ =	shalt  }
0x64: {  	_ =	shalt  }
0x65: {  	_ =	shalt  }
0x66: {  	_ =	shalt  }
0x67: {  	_ =	shalt  }
0x68: {  	_ =	shalt  }
0x69: {  	_ =	shalt  }
0x6a: {  	_ =	shalt  }
0x6b: {  	_ =	shalt  }
0x6c: {  	_ =	shalt  }
0x6d: {  	_ =	shalt  }
0x6e: {  	_ =	shalt  }
0x6f: {  	_ =	shalt  }
0x70: {  	_ =	shalt  }
0x71: {  	_ =	shalt  }
0x72: {  	_ =	shalt  }
0x73: {  	_ =	shalt  }
0x74: {  	_ =	shalt  }
0x75: {  	_ =	shalt  }
0x76: {  	_ =	shalt  }
0x77: {  	_ =	shalt  }
0x78: {  	_ =	shalt  }
0x79: {  	_ =	shalt  }
0x7a: {  	_ =	shalt  }
0x7b: {  	_ =	shalt  }
0x7c: {  	_ =	shalt  }
0x7d: {  	_ =	shalt  }
0x7e: {  	_ =	shalt  }
0x7f: {  	_ =	shalt  }
0x80: {  	_ =	shalt  }
0x81: {  	_ =	shalt  }
0x82: {  	_ =	shalt  }
0x83: {  	_ =	shalt  }
0x84: {  	_ =	shalt  }
0x85: {  	_ =	shalt  }
0x86: {  	_ =	shalt  }
0x87: {  	_ =	shalt  }
.Lfunc_end0:
.L_simem_size_0:
called_computation_lowered:
.L_overlay_start_0:
0x88: {  	s2 =	sld [smem:$0x3FD9]  }
0x89: {  	s3 =	sld [smem:$0x3FFE];
	_ =	sdelay $0x1  }
0x8a: {  	s1 =	srdreg.scid  }
0x8b: {  	s0 =	sand.u32 $0x1, s1  }
0x8c: {  	s17 =	sshll.u32 s0, $0xA;
	s2 =	sadd.s32 s3, s2  }
0x8d: {  	s2 =	sadd.s32 s2, s17  }
0x8e: {  	[smem:$0x3FBB] =	sst s2  }
0x8f: {  	_ = 	snop  }
0x90: {  	s2 =	sld [smem:$0x3FC9];
	(tm) =	ssettm $0x1  }
0x91: {  	s18 =	sld [smem:$0x3FFB];
	_ =	sdelay $0x3  }
0x92: {  	_ =	strace s18  }
0x93: {  	s3 =	sld [smem:$0x3FFC];
	_ =	sdelay $0x3  }
0x94: {  	_ =	strace s3  }
0x95: {  	s3 =	sld [smem:$0x3FFD];
	_ =	sdelay $0x3  }
0x96: {  	_ =	strace s3  }
0x97: {  	_ =	strace $0x8FFFFFFF  }
0x98: {  	s19 =	sld [smem:$0x3FDB];
	_ =	sdelay $0x1  }
0x99: {  	s4 =	simm.s32 $_scs_section_size  }
0x9a: {  	s5 =	simm.s32 $_size__tile_overlayer_lowered;
	s6 =	simm.s32 $_tile_overlayer_lowered  }
0x9b: {  	s22 =	simm.s32 $0x1BFF;
	s21 =	sshll.u32 s6, $0x1;
	s3 =	sadd.s32 s4, s19  }
0x9c: {  	s7 =	simm.s32 $0x0;
	s20 =	sshll.u32 s5, $0x1;
	s5 =	sadd.s32 s21, s3  }
0x9d: {  	[timem:s7], [sflag:s22] =	dma.local [hbm:s5], s20  }
0x9e: {  	_ =	swait.ge [sflag:s22], s20  }
0x9f: {  	s4 =	ssub.s32 $0x0, s20;
	[sflag:s22] =	ssyncset.done $0x0  }
0xa0: {  	[sflag:s22] =	ssyncadd.s32 s4;
	_ =	sdelay $0x1  }
0xa1: {  	s23 =	simm.s32 $0x1B8B  }
0xa2: {  	_ =	swait.ge [sflag:s23], $0x1  }
0xa3: {  	[sflag:s23] =	ssyncset.done $0x0  }
0xa4: {  	s25 =	simm.s32 $0x1B8E;
	s24 =	sld [smem:$0x3FFE];
	[sflag:s23] =	ssyncadd.s32 $0xFFFFFFFF  }
0xa5: {  	s26 =	simm.s32 $execute0_lowered;
	[smem:$0x3FD2] =	sst s25  }
0xa6: {  	s5 =	sshll.u32 s26, $0x1;
	_ =	strace $0x80000046;
	[dreg:$0x1] =	wrdreg $0xFFFFFFFF  }
0xa7: {  	s28 =	simm.s32 $_size_execute0_lowered;
	s3 =	sadd.s32 s3, s5;
	[dreg:$0x0] =	wrdreg $0x0  }
0xa8: {  	s5 =	sshll.u32 s28, $0x1;
	[dreg:$0x2] =	wrdreg s3  }
0xa9: {  	[dreg:$0x3] =	wrdreg s5  }
0xaa: {  	[dreg:$0x4] =	wrdreg $0xC0  }
0xab: {  	_ =	task [dreg:s7], $0x5FFFF  }
0xac: {  	[dreg:$0x1] =	wrdreg $0xFFFFFFFF  }
0xad: {  	[dreg:$0x0] =	wrdreg $0x60  }
0xae: {  	[dreg:$0x2] =	wrdreg s2  }
0xaf: {  	[dreg:$0x3] =	wrdreg s24  }
0xb0: {  	[dreg:$0x4] =	wrdreg $0x0  }
0xb1: {  	[dreg:$0x5] =	wrdreg $0x9  }
0xb2: {  	_ =	task.clear_ibuf [dreg:s7], $0x6FFFF;
	_ =	strace $0x90000046  }
0xb3: {  	s29 =	simm.s32 $0x9;
	_ =	strace $0x80000048  }
0xb4: {  	_ =	swait.ge [sflag:s29], $0x1  }
0xb5: {  	[sflag:s29] =	ssyncadd.s32 $0xFFFFFFFF  }
0xb6: {  	_ =	strace $0x90000048  }
0xb7: {  	_ =	sfence  }
0xb8: {  	s30 =	sld [smem:$0x0];
	_ =	sdelay $0x2  }
0xb9: {  	s31 =	sshll.u32 s1, $0xD;
	s1 =	sshrl.u32 s1, $0x2  }
0xba: {  	s3 =	sand.u32 $0x4000, s31;
	s1 =	sadd.s32 s1, s30  }
0xbb: {  	s0 =	sor.u32 s3, s0;
	s1 =	sshll.u32 s1, $0x11  }
0xbc: {  	s0 =	sor.u32 s1, s0  }
0xbd: {  	s0 =	sadd.s32 $0x8F2B, s0  }
0xbe: {  	[sflag:s0] =	ssyncadd.remote.s32 $0x1  }
0xbf: {  	_ =	sfence.sel $0xFFFF  }
0xc0: {  	[dreg:$0x0] =	wrdreg $0xFFFFFFFF;
	(pc) =	sbr.abs _section_cstart, $3  }
0xc1: {  	[dreg:$0x1] =	wrdreg $0xFFFFFFFF  }
0xc2: {  	_ =	task.clear_ibuf [dreg:s7], $0x2FFFF;
	_ =	strace $0x9FFFFFFF  }
0xc3: {  	(tm) =	ssettm $0x7FFFFFFF  }
tec
execute0_lowered:
.L_overlay_start_1:
0x0: {  	(tag) =	ssettag $0x1  }
0x1: {  	s0 =	rddreg [dreg:$0x0]  }
0x2: {  	s1 =	srdreg.scid;
	s2 =	rddreg [dreg:$0x1]  }
0x3: {  	s3 =	rddreg [dreg:$0x2];
	s14 =	stileid.u32;
	s4 =	simm.s32 $0x0  }
0x4: {  	s28 =	simm.s32 $0x17900;
	s29 =	simm.s32 $0x17980;
	s30 =	simm.s32 $0x3  }
0x5: {  	s31 =	simm.s32 $0x2;
	s1 =	sand.u32 $0x1, s1;
	s7 =	smul.u32 $0x13800, s14  }
0x6: {  	[smem:$0x7FF] =	sst s4;
	s11 =	smul.u32 $0x4E000, s14;
	s12 =	sadd.s32 $0x43200, s2  }
0x7: {  	s17 =	sshll.u32 s14, $0x6;
	s19 =	sadd.s32 $0x138000, s3;
	s21 =	smul.u32 $0x2710, s14  }
0x8: {  	p0 =	sne.s32 s14, $0xF;
	s5 =	sshll.u32 s1, $0x4;
	_ =	strace $0x80000047  }
0x9: {  	s10 =	ssub.s32 $0x2, s1;
	s18 =	smul.u32 $0x138800, s1;
	[dreg:$0x6] =	wrdreg s19  }
0xa: {  	s1 =	smul.u32 $0x27100, s1;
	s19 =	simm.s32 $0x13900;
	s6 =	sor.u32 s14, s5  }
0xb: {  	s9 =	sshrl.u32 s7, $0x3;
	s13 =	sshrl.u32 s10, $0x1;
	s11 =	sshrl.u32 s11, $0x2  }
0xc: {  	s5 =	sshll.u32 s6, $0xB;
	s9 =	sadd.s32 s9, s2;
	s10 =	ssub.s32 s10, s13  }
0xd: {  	s6 =	smul.u32 $0x2710, s6;
	s20 =	sadd.s32 s11, s3;
	s22 =	sadd.s32 s7, s18  }
0xe: {  	s23 =	sshrl.u32 s18, $0x3;
	s1 =	sadd.s32 s21, s1;
	s21 =	simm.s32 $0x5  }
0xf: {  	s8 =	sadd.s32 s5, s2;
	s5 =	sadd.s32 $0x2200, s2;
	s9 =	sadd.s32 $0x1C000, s9  }
0x10: {  	s2 =	sadd.s32 $0x43000, s2;
	s7 =	sadd.s32 s12, s23;
	s26 =	sadd.s32 $0xF0, s1  }
0x11: {  	s15 =	smax.u32 s10, $0x1;
	s18 =	sadd.s32 $0xA0, s1;
	s20 =	sshrl.u32 s20, $0x3  }
0x12: {  	s23 =	simm.s32 $0x50;
	s1 =	simm.s32 $0x4;
	[dreg:$0x5] =	wrdreg s9  }
0x13: {  	s8 =	sadd.s32 $0xC000, s8;
	s6 =	sshrl.u32 s6, $0x3;
	[dreg:$0x7] =	wrdreg s2  }
0x14: {  	s25 =	sadd.s32 $0x27000, s7;
	s2 =	sshrl.u32 s26, $0x3;
	s26 =	simm.s32 $0x1A200  }
0x15: {  	[dreg:$0x4] =	wrdreg s8;
	s8 =	sor.u32 $0x1C05, s17;
	s11 =	sadd.s32 s5, s6  }
0x16: {  	[dreg:$0xa] =	wrdreg s25;
	s17 =	sadd.s32 s2, s5;
	s6 =	sadd.s32 $0xA, s11  }
0x17: {  	s2 =	simm.s32 $0x17700;
	[dreg:$0x8] =	wrdreg s6;
	s6 =	sshrl.u32 s22, $0x3  }
0x18: {  	s25 =	simm.s32 $0x0;
	s16 =	sadd.s32 $0x4D8, s11;
	s24 =	sadd.s32 s12, s6  }
0x19: {  	s22 =	simm.s32 $0x1;
	[dreg:$0x9] =	wrdreg s24;
	s24 =	simm.s32 $0x17A00  }
.LBB2_1:
0x1a: {  	s6 =	rddreg [dreg:$0x4]  }
0x1b: {  	s7 =	rddreg [dreg:$0x5]  }
0x1c: {  	[tilespmem:s19], [sflag:$0x1] =	stream.linear.gather [hbm4b:s6+s4], $0x3E80, $0x38;
	[tilespmem:$0x1CA00] =	vst v63  }
0x1d: {  	[spmem:s20], [sflag:s8] =	dma.local [hbm:s7], $0x2700  }
0x1e: {  	_ =	swait.ge [sflag:s21], $0x2700  }
0x1f: {  	[sflag:s21] =	ssyncset.done $0x0;
	s6 =	rddreg [dreg:$0x6]  }
0x20: {  	s7 =	rddreg [dreg:$0x7];
	[sflag:s21] =	ssyncadd.s32 $0xFFFFD900;
	s6 =	sshrl.u32 @!p0 s6, $0x3  }
0x21: {  	[spmem:s6], [sflag:s8] =	dma.local @!p0 [hbm:s7], $0x100  }
0x22: {  	s7 =	simm.s32 @!p0 $0x5  }
0x23: {  	_ =	swait.ge @!p0 [sflag:s7], $0x100  }
0x24: {  	[sflag:s7] =	ssyncset.done @!p0 $0x0  }
0x25: {  	[sflag:s7] =	ssyncadd.s32 @!p0 $0xFFFFFF00  }
0x26: {  	_ =	swait.ge [sflag:s22], $0x3E80  }
0x27: {  	[sflag:s22] =	ssyncset.done $0x0  }
0x28: {  	[sflag:s22] =	ssyncadd.s32 $0xFFFFC180  }
0x29: {  	[bflag:$0x0] =	sbarrier.arrive $0xFFFF  }
0x2a: {  	[tilespmem:s24], [sflag:$0x1] =	stream.indirect.gather [hbm4b:s0+s23], $0x80, s19, s23, $0xb8;
	[tilespmem:$0x1CA00] =	vst v63  }
0x2b: {  	s9 =	simm.s32 $0x13980  }
0x2c: {  	[tilespmem:s26], [sflag:$0x2] =	stream.indirect.gather [hbm4b:s0+s23], $0x80, s9, s23, $0xb8;
	[tilespmem:$0x1CA00] =	vst v63  }
0x2d: {  	_ = 	snop  }
0x2e: {  	[tilespmem:s28], [sflag:$0x3] =	stream.linear.gather [hbm4b:s11+s4], $0x50, $0x38;
	[tilespmem:$0x1CA00] =	vst v63  }
0x2f: {  	s10 =	rddreg [dreg:$0x8]  }
0x30: {  	[tilespmem:s29], [sflag:$0x4] =	stream.linear.gather [hbm4b:s10+s4], $0x50, $0x38;
	[tilespmem:$0x1CA00] =	vst v63  }
0x31: {  	_ =	swait.ge [sflag:s22], $0x2800  }
0x32: {  	[sflag:s22] =	ssyncset.done $0x0  }
0x33: {  	[sflag:s22] =	ssyncadd.s32 $0xFFFFD800  }
0x34: {  	_ =	swait.ge [sflag:s30], $0x50  }
0x35: {  	[sflag:s30] =	ssyncset.done $0x0  }
0x36: {  	[sflag:s30] =	ssyncadd.s32 $0xFFFFFFB0  }
0x37: {  	[spmem:s3] =	stream.indirect.scatter.add.f32 [tilespmem:s24], [sflag:$0x5], $0x80, s28, s23, $0xb8;
	[tilespmem:$0x1CA00] =	vst v63  }
0x38: {  	_ =	swait.ge [sflag:s21], $0x2800  }
0x39: {  	[sflag:s21] =	ssyncset.done $0x0  }
0x3a: {  	s12 =	simm.s32 $0x13A00;
	s9 =	sshrl.u32 s18, $0x3;
	[sflag:s21] =	ssyncadd.s32 $0xFFFFD800  }
0x3b: {  	[tilespmem:s24], [sflag:$0x1] =	stream.indirect.gather [hbm4b:s0+s23], $0x80, s12, s23, $0xb8;
	[tilespmem:$0x1CA00] =	vst v63  }
0x3c: {  	s13 =	sadd.s32 s5, s9  }
0x3d: {  	[tilespmem:s28], [sflag:$0x3] =	stream.linear.gather [hbm4b:s13+s4], $0x50, $0x38;
	[tilespmem:$0x1CA00] =	vst v63  }
0x3e: {  	_ =	swait.ge [sflag:s31], $0x2800  }
0x3f: {  	[sflag:s31] =	ssyncset.done $0x0  }
0x40: {  	[sflag:s31] =	ssyncadd.s32 $0xFFFFD800  }
0x41: {  	_ =	swait.ge [sflag:s1], $0x50  }
0x42: {  	[sflag:s1] =	ssyncset.done $0x0  }
0x43: {  	[sflag:s1] =	ssyncadd.s32 $0xFFFFFFB0  }
0x44: {  	[spmem:s3] =	stream.indirect.scatter.add.f32 [tilespmem:s26], [sflag:$0x5], $0x80, s29, s23, $0xb8;
	[tilespmem:$0x1CA00] =	vst v63  }
0x45: {  	s14 =	simm.s32 $0x13A80;
	_ =	swait.ge [sflag:s21], $0x2800  }
0x46: {  	s7 =	simm.s32 $0x14;
	s9 =	simm.s32 $0x13B80;
	[sflag:s21] =	ssyncset.done $0x0  }
0x47: {  	s10 =	sadd.s32 $0xA0, s18;
	s12 =	sadd.s32 $0x0, s17;
	[sflag:s21] =	ssyncadd.s32 $0xFFFFD800  }
0x48: {  	[tilespmem:s26], [sflag:$0x2] =	stream.indirect.gather [hbm4b:s0+s23], $0x80, s14, s23, $0xb8;
	[tilespmem:$0x1CA00] =	vst v63  }
.LBB2_2:
0x49: {  	[tilespmem:s29], [sflag:$0x4] =	stream.linear.gather [hbm4b:s12+s4], $0x50, $0x38;
	[tilespmem:$0x1CA00] =	vst v63  }
0x4a: {  	s12 =	smov.u32 s7  }
0x4b: {  	p1 =	sne.s32 s7, $0x4B0;
	s7 =	sadd.s32 $0x14, s7;
	_ =	swait.ge [sflag:s22], $0x2800  }
0x4c: {  	[sflag:s22] =	ssyncset.done $0x0  }
0x4d: {  	[sflag:s22] =	ssyncadd.s32 $0xFFFFD800  }
0x4e: {  	_ =	swait.ge [sflag:s30], $0x50  }
0x4f: {  	[sflag:s30] =	ssyncset.done $0x0  }
0x50: {  	[sflag:s30] =	ssyncadd.s32 $0xFFFFFFB0  }
0x51: {  	[spmem:s3] =	stream.indirect.scatter.add.f32 [tilespmem:s24], [sflag:$0x5], $0x80, s28, s23, $0xb8;
	[tilespmem:$0x1CA00] =	vst v63  }
0x52: {  	_ =	swait.ge [sflag:s21], $0x2800  }
0x53: {  	[sflag:s21] =	ssyncset.done $0x0  }
0x54: {  	s13 =	sadd.s32 $0xFFFFFF80, s9;
	s14 =	sshrl.u32 s10, $0x3;
	[sflag:s21] =	ssyncadd.s32 $0xFFFFD800  }
0x55: {  	[tilespmem:s24], [sflag:$0x1] =	stream.indirect.gather [hbm4b:s0+s23], $0x80, s13, s23, $0xb8;
	[tilespmem:$0x1CA00] =	vst v63  }
0x56: {  	s13 =	sadd.s32 s5, s14  }
0x57: {  	[tilespmem:s28], [sflag:$0x3] =	stream.linear.gather [hbm4b:s13+s4], $0x50, $0x38;
	[tilespmem:$0x1CA00] =	vst v63  }
0x58: {  	_ =	swait.ge [sflag:s31], $0x2800  }
0x59: {  	[sflag:s31] =	ssyncset.done $0x0  }
0x5a: {  	[sflag:s31] =	ssyncadd.s32 $0xFFFFD800  }
0x5b: {  	_ =	swait.ge [sflag:s1], $0x50  }
0x5c: {  	[sflag:s1] =	ssyncset.done $0x0  }
0x5d: {  	[sflag:s1] =	ssyncadd.s32 $0xFFFFFFB0  }
0x5e: {  	[spmem:s3] =	stream.indirect.scatter.add.f32 [tilespmem:s26], [sflag:$0x5], $0x80, s29, s23, $0xb8;
	[tilespmem:$0x1CA00] =	vst v63  }
.Ltmp0:
0x5f: {  	_ =	swait.ge [sflag:s21], $0x2800;
	(pc) =	sbr.rel @p1 .LBB2_2-.Ltmp0, $4  }
0x60: {  	[sflag:s21] =	ssyncset.done $0x0  }
0x61: {  	[sflag:s21] =	ssyncadd.s32 $0xFFFFD800  }
0x62: {  	[tilespmem:s26], [sflag:$0x2] =	stream.indirect.gather [hbm4b:s0+s23], $0x80, s9, s23, $0xb8;
	[tilespmem:$0x1CA00] =	vst v63  }
0x63: {  	s10 =	sadd.s32 $0xA0, s10;
	s12 =	sadd.s32 s12, s17;
	s9 =	sadd.s32 $0x100, s9  }
0x64: {  	[tilespmem:s29], [sflag:$0x4] =	stream.linear.gather [hbm4b:s12+s4], $0x50, $0x38;
	[tilespmem:$0x1CA00] =	vst v63  }
0x65: {  	_ =	swait.ge [sflag:s22], $0x2800  }
0x66: {  	[sflag:s22] =	ssyncset.done $0x0  }
0x67: {  	[sflag:s22] =	ssyncadd.s32 $0xFFFFD800  }
0x68: {  	_ =	swait.ge [sflag:s30], $0x50  }
0x69: {  	[sflag:s30] =	ssyncset.done $0x0  }
0x6a: {  	[sflag:s30] =	ssyncadd.s32 $0xFFFFFFB0  }
0x6b: {  	[spmem:s3] =	stream.indirect.scatter.add.f32 [tilespmem:s24], [sflag:$0x5], $0x80, s28, s23, $0xb8;
	[tilespmem:$0x1CA00] =	vst v63  }
0x6c: {  	_ =	swait.ge [sflag:s21], $0x2800  }
0x6d: {  	[sflag:s21] =	ssyncset.done $0x0  }
0x6e: {  	[sflag:s21] =	ssyncadd.s32 $0xFFFFD800  }
0x6f: {  	[tilespmem:s24], [sflag:$0x1] =	stream.indirect.gather [hbm4b:s0+s23], $0x80, s2, s23, $0xb8;
	[tilespmem:$0x1CA00] =	vst v63  }
0x70: {  	_ = 	snop  }
0x71: {  	[tilespmem:s28], [sflag:$0x3] =	stream.linear.gather [hbm4b:s16+s4], $0x50, $0x38;
	[tilespmem:$0x1CA00] =	vst v63  }
0x72: {  	_ =	swait.ge [sflag:s31], $0x2800  }
0x73: {  	[sflag:s31] =	ssyncset.done $0x0  }
0x74: {  	[sflag:s31] =	ssyncadd.s32 $0xFFFFD800  }
0x75: {  	_ =	swait.ge [sflag:s1], $0x50  }
0x76: {  	[sflag:s1] =	ssyncset.done $0x0  }
0x77: {  	[sflag:s1] =	ssyncadd.s32 $0xFFFFFFB0  }
0x78: {  	[spmem:s3] =	stream.indirect.scatter.add.f32 [tilespmem:s26], [sflag:$0x5], $0x80, s29, s23, $0xb8;
	[tilespmem:$0x1CA00] =	vst v63  }
0x79: {  	_ =	swait.ge [sflag:s21], $0x2800  }
0x7a: {  	[sflag:s21] =	ssyncset.done $0x0  }
0x7b: {  	[sflag:s21] =	ssyncadd.s32 $0xFFFFD800  }
0x7c: {  	[tilespmem:s26], [sflag:$0x2] =	stream.indirect.gather [hbm4b:s0+s23], $0x80, s2, s23, $0xb8;
	[tilespmem:$0x1CA00] =	vst v63  }
0x7d: {  	_ = 	snop  }
0x7e: {  	[tilespmem:s29], [sflag:$0x4] =	stream.linear.gather [hbm4b:s16+s4], $0x50, $0x38;
	[tilespmem:$0x1CA00] =	vst v63  }
0x7f: {  	_ =	swait.ge [sflag:s22], $0x2800  }
0x80: {  	[sflag:s22] =	ssyncset.done $0x0  }
0x81: {  	[sflag:s22] =	ssyncadd.s32 $0xFFFFD800  }
0x82: {  	_ =	swait.ge [sflag:s30], $0x50  }
0x83: {  	[sflag:s30] =	ssyncset.done $0x0  }
0x84: {  	[sflag:s30] =	ssyncadd.s32 $0xFFFFFFB0  }
0x85: {  	[spmem:s3] =	stream.indirect.scatter.add.f32 [tilespmem:s24], [sflag:$0x5], $0x80, s28, s23, $0xb8;
	[tilespmem:$0x1CA00] =	vst v63  }
0x86: {  	_ =	swait.ge [sflag:s21], $0x2800  }
0x87: {  	[sflag:s21] =	ssyncset.done $0x0  }
0x88: {  	[sflag:s21] =	ssyncadd.s32 $0xFFFFD800  }
0x89: {  	_ =	swait.ge [sflag:s31], $0x2800  }
0x8a: {  	[sflag:s31] =	ssyncset.done $0x0  }
0x8b: {  	[sflag:s31] =	ssyncadd.s32 $0xFFFFD800  }
0x8c: {  	_ =	swait.ge [sflag:s1], $0x50  }
0x8d: {  	[sflag:s1] =	ssyncset.done $0x0  }
0x8e: {  	[sflag:s1] =	ssyncadd.s32 $0xFFFFFFB0  }
0x8f: {  	[bflag:$0x0] =	sbarrier.arrive $0xFFFF  }
0x90: {  	s7 =	rddreg [dreg:$0x9]  }
0x91: {  	[hbm:s7], [sflag:s8] =	dma.local [spmem:s20], $0x2700  }
0x92: {  	_ =	swait.ge [sflag:s21], $0x2700  }
0x93: {  	s25 =	sadd.s32 $0x1, s25;
	[sflag:s21] =	ssyncset.done $0x0  }
0x94: {  	p1 =	sne.s32 s25, s15;
	s7 =	rddreg [dreg:$0xa];
	[sflag:s21] =	ssyncadd.s32 $0xFFFFD900  }
0x95: {  	[hbm:s7], [sflag:s8] =	dma.local @!p0 [spmem:s6], $0x100  }
.Ltmp1:
0x96: {  	_ = 	snop;
	(pc) =	sbr.rel @p1 .LBB2_1-.Ltmp1, $4  }
0x97: {  	s6 =	simm.s32 @!p0 $0x5  }
0x98: {  	_ =	swait.ge @!p0 [sflag:s6], $0x100  }
0x99: {  	[sflag:s6] =	ssyncset.done @!p0 $0x0  }
0x9a: {  	[sflag:s6] =	ssyncadd.s32 @!p0 $0xFFFFFF00  }
0x9b: {  	_ =	sfence.sel $0x180000  }
0x9c: {  	[bflag:$0x0] =	sbarrier.arrive $0xFFFF  }
0x9d: {  	_ =	strace $0x90000047  }
0x9e: {  	s0 =	stileid.u32;
	[bflag:$0x2] =	sbarrier.arrive $0xFFFF  }
0x9f: {  	p0 =	sne.s32 s0, $0x0;
	s0 =	rddreg [dreg:$0x3]  }
0xa0: {  	s0 =	sadd.s32 @!p0 $0x100000, s0  }
0xa1: {  	[sflag:s0] =	ssyncadd.tile.s32 @!p0 $0x1;
	_ =	shalt  }
.Lfunc_end2:
_tile_overlayer_lowered:
.L_overlay_start_2:
0xa2: {  	(tag) =	ssettag $0x2  }
0xa3: {  	s0 =	rddreg [dreg:$0x0];
	s2 =	stileid.u32  }
0xa4: {  	s1 =	rddreg [dreg:$0x1];
	p0 =	sne.s32 s2, $0x0  }
0xa5: {  	s3 =	rddreg [dreg:$0x2];
	[bflag:$0x3] =	sbarrier.arrive $0xFFFF;
	s2 =	simm.s32 @!p0 $0x1C05  }
0xa6: {  	[timem:s3], [sflag:s2] =	dma.local @!p0 [hbm:s0], s1  }
0xa7: {  	s0 =	simm.s32 @!p0 $0x5  }
0xa8: {  	_ =	swait.ge @!p0 [sflag:s0], s1  }
0xa9: {  	s1 =	ssub.s32 @!p0 $0x0, s1;
	[sflag:s0] =	ssyncset.done @!p0 $0x0  }
0xaa: {  	[sflag:s0] =	ssyncadd.s32 @!p0 s1  }
0xab: {  	[bflag:$0x3] =	sbarrier.arrive $0xFFFF  }
0xac: {  	_ =	shalt  }

// kernel: kernel.9.cloned.1.call-start
scs
__scs_entry_jumppad:
0x0: {  	(pc) =	sbr.rel $0x88, $3  }
0x1: {  	(tag) =	ssettag $0x0;
	lr =	simm.s32 $0x1  }
0x2: {  	[smem:$0x3F94] =	sst lr;
	_ =	strace $0xD0000000  }
0x3: {  	_ = 	snop  }
0x4: {  	_ = 	snop  }
0x5: {  	_ = 	snop  }
0x6: {  	_ = 	snop  }
0x7: {  	_ = 	snop  }
__scs_overlays_trampoline_lowered:
0x8: {  	[smem:$0x3FA3] =	sst s0  }
0x9: {  	[smem:$0x3FA4] =	sst s1  }
0xa: {  	[smem:$0x3FA5] =	sst s2  }
0xb: {  	[smem:$0x3FA6] =	sst s3  }
0xc: {  	[smem:$0x3FA7] =	sst s4  }
0xd: {  	[smem:$0x3FA8] =	sst s5  }
0xe: {  	[smem:$0x3FA9] =	sst s6  }
0xf: {  	[smem:$0x3FAA] =	sst s7  }
0x10: {  	[smem:$0x3FAB] =	sst s8  }
0x11: {  	[smem:$0x3FAC] =	sst s9;
	s0 =	simm.s32 @!p0 $0x0  }
0x12: {  	s1 =	sld [smem:$0x3F92];
	s0 =	simm.s32 @p0 $0x1  }
0x13: {  	[smem:$0x3FAD] =	sst s0;
	s0 =	simm.s32 @!p1 $0x0  }
0x14: {  	s2 =	sld [smem:$0x3F91];
	s0 =	simm.s32 @p1 $0x1  }
0x15: {  	[smem:$0x3FAE] =	sst s0;
	s0 =	simm.s32 @!p2 $0x0  }
0x16: {  	s3 =	sld [smem:$0x3FDB];
	s0 =	simm.s32 @p2 $0x1  }
0x17: {  	s4 =	simm.s32 $0x1BF5;
	[smem:$0x3FB0] =	sst s0  }
0x18: {  	s0 =	sld [smem:$0x3F93];
	_ =	swait.ge [sflag:s4], $0x0  }
0x19: {  	s7 =	sld [smem:$0x3F94]  }
0x1a: {  	s8 =	sadd.s32 $0xFFFFE003, lr  }
0x1b: {  	s9 =	sadd.s32 $0xFFFFFEF7, lr;
	s5 =	simm.s32 $0xFFFFFFFF;
	p2 =	slt.u32 s8, $0xFFFFF086  }
0x1c: {  	p1 =	slt.u32 s9, $0xF7A;
	s5 =	simm.s32 @!p2 $0x0  }
0x1d: {  	s5 =	simm.s32 @p1 $0x1;
	p0 =	seq.s32 s7, s2  }
0x1e: {  	s7 =	smul.u32 @!p0 $0xF7A, s2;
	p2 =	seq.s32 @!p0 s5, $0x0  }
0x1f: {  	s9 =	smul.u32 $0xF7A, s1;
	s8 =	simm.s32 @!p0 $0x1BF5;
	p2 =	por !p2, p0  }
0x20: {  	[sflag:s8] =	ssyncset.s32 @!p0 $0xFFFFF086;
	s6 =	sadd.s32 @!p0 s3, s7;
	s7 =	simm.s32 @!p0 $0x108  }
0x21: {  	s3 =	sadd.s32 s3, s9;
	s6 =	sadd.s32 @!p0 $0x88, s6;
	s7 =	simm.s32 @p2 $0x1082  }
0x22: {  	[simem:s7], [sflag:s8] =	dma.local @!p0 [hbm:s6], $0xF7A  }
0x23: {  	s9 =	sor.u32 $0xD0000000, s2;
	s6 =	simm.s32 $0x108;
	_ =	swait.ge @!p0 [sflag:s8], $0x0  }
0x24: {  	s3 =	sadd.s32 $0x88, s3;
	s6 =	simm.s32 @!p1 $0x1082;
	[sflag:s4] =	ssyncset.s32 $0xFFFFF086  }
0x25: {  	[simem:s6], [sflag:s4] =	dma.local [hbm:s3], $0xF7A  }
0x26: {  	[smem:$0x3F94] =	sst s1;
	(tag) =	ssettag s2;
	_ =	strace s9  }
0x27: {  	s1 =	sld [smem:$0x3FA4]  }
0x28: {  	s2 =	sld [smem:$0x3FA5]  }
0x29: {  	s4 =	sld [smem:$0x3FA7]  }
0x2a: {  	p0 =	seq.s32 s5, $0x0;
	s5 =	sld [smem:$0x3FA8]  }
0x2b: {  	s6 =	sld [smem:$0x3FA9]  }
0x2c: {  	s7 =	sld [smem:$0x3FAA]  }
0x2d: {  	s3 =	simm.s32 $0x108;
	s8 =	sld [smem:$0x3FAB]  }
0x2e: {  	s3 =	simm.s32 @!p0 $0x1082;
	s9 =	sld [smem:$0x3FAC]  }
0x2f: {  	lr =	sadd.s32 s0, s3;
	s0 =	sld [smem:$0x3FA3]  }
0x30: {  	s3 =	sld [smem:$0x3FA6]  }
0x31: {  	[smem:$0x3FAF] =	sst s10  }
0x32: {  	s10 =	sld [smem:$0x3FAD];
	_ =	sdelay $0x3  }
0x33: {  	p0 =	seq.s32 s10, $0x1;
	s10 =	sld [smem:$0x3FAF];
	_ =	sdelay $0x3  }
0x34: {  	[smem:$0x3FAF] =	sst s10  }
0x35: {  	s10 =	sld [smem:$0x3FAE];
	_ =	sdelay $0x3  }
0x36: {  	p1 =	seq.s32 s10, $0x1;
	s10 =	sld [smem:$0x3FAF];
	_ =	sdelay $0x3  }
0x37: {  	[smem:$0x3FAF] =	sst s10  }
0x38: {  	s10 =	sld [smem:$0x3FB0]  }
0x39: {  	_ = 	snop;
	(pc) =	sbr.ind lr, $3  }
0x3a: {  	_ = 	snop  }
0x3b: {  	_ = 	snop  }
0x3c: {  	p2 =	seq.s32 s10, $0x1;
	s10 =	sld [smem:$0x3FAF]  }
0x3d: {  	_ =	shalt  }
0x3e: {  	_ =	shalt  }
0x3f: {  	_ =	shalt  }
0x40: {  	_ =	shalt  }
0x41: {  	_ =	shalt  }
0x42: {  	_ =	shalt  }
0x43: {  	_ =	shalt  }
0x44: {  	_ =	shalt  }
0x45: {  	_ =	shalt  }
0x46: {  	_ =	shalt  }
0x47: {  	_ =	shalt  }
0x48: {  	_ =	shalt  }
0x49: {  	_ =	shalt  }
0x4a: {  	_ =	shalt  }
0x4b: {  	_ =	shalt  }
0x4c: {  	_ =	shalt  }
0x4d: {  	_ =	shalt  }
0x4e: {  	_ =	shalt  }
0x4f: {  	_ =	shalt  }
0x50: {  	_ =	shalt  }
0x51: {  	_ =	shalt  }
0x52: {  	_ =	shalt  }
0x53: {  	_ =	shalt  }
0x54: {  	_ =	shalt  }
0x55: {  	_ =	shalt  }
0x56: {  	_ =	shalt  }
0x57: {  	_ =	shalt  }
0x58: {  	_ =	shalt  }
0x59: {  	_ =	shalt  }
0x5a: {  	_ =	shalt  }
0x5b: {  	_ =	shalt  }
0x5c: {  	_ =	shalt  }
0x5d: {  	_ =	shalt  }
0x5e: {  	_ =	shalt  }
0x5f: {  	_ =	shalt  }
0x60: {  	_ =	shalt  }
0x61: {  	_ =	shalt  }
0x62: {  	_ =	shalt  }
0x63: {  	_ =	shalt  }
0x64: {  	_ =	shalt  }
0x65: {  	_ =	shalt  }
0x66: {  	_ =	shalt  }
0x67: {  	_ =	shalt  }
0x68: {  	_ =	shalt  }
0x69: {  	_ =	shalt  }
0x6a: {  	_ =	shalt  }
0x6b: {  	_ =	shalt  }
0x6c: {  	_ =	shalt  }
0x6d: {  	_ =	shalt  }
0x6e: {  	_ =	shalt  }
0x6f: {  	_ =	shalt  }
0x70: {  	_ =	shalt  }
0x71: {  	_ =	shalt  }
0x72: {  	_ =	shalt  }
0x73: {  	_ =	shalt  }
0x74: {  	_ =	shalt  }
0x75: {  	_ =	shalt  }
0x76: {  	_ =	shalt  }
0x77: {  	_ =	shalt  }
0x78: {  	_ =	shalt  }
0x79: {  	_ =	shalt  }
0x7a: {  	_ =	shalt  }
0x7b: {  	_ =	shalt  }
0x7c: {  	_ =	shalt  }
0x7d: {  	_ =	shalt  }
0x7e: {  	_ =	shalt  }
0x7f: {  	_ =	shalt  }
0x80: {  	_ =	shalt  }
0x81: {  	_ =	shalt  }
0x82: {  	_ =	shalt  }
0x83: {  	_ =	shalt  }
0x84: {  	_ =	shalt  }
0x85: {  	_ =	shalt  }
0x86: {  	_ =	shalt  }
0x87: {  	_ =	shalt  }
.Lfunc_end0:
.L_simem_size_0:
called_computation.1_lowered:
.L_overlay_start_0:
0x88: {  	s2 =	sld [smem:$0x3FD9]  }
0x89: {  	s3 =	sld [smem:$0x3FFE];
	_ =	sdelay $0x1  }
0x8a: {  	s1 =	srdreg.scid  }
0x8b: {  	s0 =	sand.u32 $0x1, s1  }
0x8c: {  	s16 =	sshll.u32 s0, $0xA;
	s2 =	sadd.s32 s3, s2  }
0x8d: {  	s2 =	sadd.s32 s2, s16  }
0x8e: {  	[smem:$0x3FBB] =	sst s2  }
0x8f: {  	_ = 	snop  }
0x90: {  	(tm) =	ssettm $0x1  }
0x91: {  	s17 =	sld [smem:$0x3FFB];
	_ =	sdelay $0x3  }
0x92: {  	_ =	strace s17  }
0x93: {  	s2 =	sld [smem:$0x3FFC];
	_ =	sdelay $0x3  }
0x94: {  	_ =	strace s2  }
0x95: {  	s2 =	sld [smem:$0x3FFD];
	_ =	sdelay $0x3  }
0x96: {  	_ =	strace s2  }
0x97: {  	_ =	strace $0x8FFFFFFF  }
0x98: {  	s18 =	sld [smem:$0x3FDB];
	_ =	sdelay $0x1  }
0x99: {  	s19 =	simm.s32 $_scs_section_size  }
0x9a: {  	s4 =	simm.s32 $_size__tile_overlayer_lowered;
	s5 =	simm.s32 $_tile_overlayer_lowered  }
0x9b: {  	s22 =	simm.s32 $0x1BFF;
	s21 =	sshll.u32 s5, $0x1;
	s2 =	sadd.s32 s19, s18  }
0x9c: {  	s6 =	simm.s32 $0x0;
	s20 =	sshll.u32 s4, $0x1;
	s4 =	sadd.s32 s21, s2  }
0x9d: {  	[timem:s6], [sflag:s22] =	dma.local [hbm:s4], s20  }
0x9e: {  	_ =	swait.ge [sflag:s22], s20  }
0x9f: {  	s3 =	ssub.s32 $0x0, s20;
	[sflag:s22] =	ssyncset.done $0x0  }
0xa0: {  	[sflag:s22] =	ssyncadd.s32 s3;
	_ =	sdelay $0x1  }
0xa1: {  	s23 =	simm.s32 $0x1B8B  }
0xa2: {  	_ =	swait.ge [sflag:s23], $0x1  }
0xa3: {  	[sflag:s23] =	ssyncset.done $0x0  }
0xa4: {  	s25 =	simm.s32 $0x1B8E;
	s24 =	sld [smem:$0x3FFE];
	[sflag:s23] =	ssyncadd.s32 $0xFFFFFFFF  }
0xa5: {  	s26 =	simm.s32 $execute0_lowered;
	[smem:$0x3FD2] =	sst s25  }
0xa6: {  	s4 =	sshll.u32 s26, $0x1;
	_ =	strace $0x80000049;
	[dreg:$0x1] =	wrdreg $0xFFFFFFFF  }
0xa7: {  	s28 =	simm.s32 $_size_execute0_lowered;
	s2 =	sadd.s32 s2, s4;
	[dreg:$0x0] =	wrdreg $0x0  }
0xa8: {  	s4 =	sshll.u32 s28, $0x1;
	[dreg:$0x2] =	wrdreg s2  }
0xa9: {  	[dreg:$0x3] =	wrdreg s4  }
0xaa: {  	[dreg:$0x4] =	wrdreg $0xC0  }
0xab: {  	_ =	task [dreg:s6], $0x5FFFF  }
0xac: {  	[dreg:$0x1] =	wrdreg $0xFFFFFFFF  }
0xad: {  	[dreg:$0x0] =	wrdreg $0x60  }
0xae: {  	[dreg:$0x2] =	wrdreg s24  }
0xaf: {  	[dreg:$0x3] =	wrdreg $0x0  }
0xb0: {  	[dreg:$0x4] =	wrdreg $0x9  }
0xb1: {  	_ =	task.clear_ibuf [dreg:s6], $0x5FFFF;
	_ =	strace $0x90000049  }
0xb2: {  	s29 =	simm.s32 $0x9;
	_ =	strace $0x8000004B  }
0xb3: {  	_ =	swait.ge [sflag:s29], $0x1  }
0xb4: {  	[sflag:s29] =	ssyncadd.s32 $0xFFFFFFFF  }
0xb5: {  	_ =	strace $0x9000004B  }
0xb6: {  	_ =	sfence  }
0xb7: {  	s30 =	sld [smem:$0x0];
	_ =	sdelay $0x2  }
0xb8: {  	s31 =	sshll.u32 s1, $0xD;
	s1 =	sshrl.u32 s1, $0x2  }
0xb9: {  	s3 =	sand.u32 $0x4000, s31;
	s1 =	sadd.s32 s1, s30  }
0xba: {  	s0 =	sor.u32 s3, s0;
	s1 =	sshll.u32 s1, $0x11  }
0xbb: {  	s0 =	sor.u32 s1, s0  }
0xbc: {  	s0 =	sadd.s32 $0x8F2B, s0  }
0xbd: {  	[sflag:s0] =	ssyncadd.remote.s32 $0x1  }
0xbe: {  	_ =	sfence.sel $0xFFFF  }
0xbf: {  	[dreg:$0x0] =	wrdreg $0xFFFFFFFF;
	(pc) =	sbr.abs _section_cstart, $3  }
0xc0: {  	[dreg:$0x1] =	wrdreg $0xFFFFFFFF  }
0xc1: {  	_ =	task.clear_ibuf [dreg:s6], $0x2FFFF;
	_ =	strace $0x9FFFFFFF  }
0xc2: {  	(tm) =	ssettm $0x7FFFFFFF  }
0xc3: {  	_ =	shalt  }
tec
execute0_lowered:
.L_overlay_start_1:
0x0: {  	(tag) =	ssettag $0x1  }
0x1: {  	s0 =	rddreg [dreg:$0x0]  }
0x2: {  	s1 =	rddreg [dreg:$0x1];
	s2 =	srdreg.scid  }
0x3: {  	s3 =	simm.s32 $0x0;
	s14 =	stileid.u32;
	s28 =	simm.s32 $0x17900  }
0x4: {  	s29 =	simm.s32 $0x17980;
	s30 =	simm.s32 $0x3;
	s31 =	simm.s32 $0x2  }
0x5: {  	s2 =	sand.u32 $0x1, s2;
	[smem:$0x7FF] =	sst s3;
	s7 =	smul.u32 $0x13800, s14  }
0x6: {  	s11 =	smul.u32 $0x4E000, s14;
	s12 =	sadd.s32 $0x6A400, s0;
	s17 =	sshll.u32 s14, $0x6  }
0x7: {  	s19 =	sadd.s32 $0x138000, s1;
	s21 =	smul.u32 $0x2710, s14;
	p0 =	sne.s32 s14, $0xF  }
0x8: {  	s4 =	sshll.u32 s2, $0x4;
	_ =	strace $0x8000004A;
	s18 =	smul.u32 $0x138800, s2  }
0x9: {  	s10 =	ssub.s32 $0x2, s2;
	[dreg:$0x5] =	wrdreg s19;
	s2 =	smul.u32 $0x27100, s2  }
0xa: {  	s19 =	simm.s32 $0x13900;
	s6 =	sor.u32 s14, s4;
	s4 =	sadd.s32 $0x43200, s0  }
0xb: {  	s9 =	sshrl.u32 s7, $0x3;
	s13 =	sshrl.u32 s10, $0x1;
	s11 =	sshrl.u32 s11, $0x2  }
0xc: {  	s5 =	sshll.u32 s6, $0xB;
	s9 =	sadd.s32 s9, s0;
	s10 =	ssub.s32 s10, s13  }
0xd: {  	s6 =	smul.u32 $0x2710, s6;
	s20 =	sadd.s32 s11, s1;
	s22 =	sadd.s32 s7, s18  }
0xe: {  	s23 =	sshrl.u32 s18, $0x3;
	s8 =	sadd.s32 s5, s0;
	s5 =	sadd.s32 $0x2200, s0  }
0xf: {  	s9 =	sadd.s32 $0x1C000, s9;
	s0 =	sadd.s32 $0x43000, s0;
	s7 =	sadd.s32 s12, s23  }
0x10: {  	s15 =	smax.u32 s10, $0x1;
	s20 =	sshrl.u32 s20, $0x3;
	s23 =	simm.s32 $0x50  }
0x11: {  	s8 =	sadd.s32 $0xC000, s8;
	[dreg:$0x4] =	wrdreg s9;
	s6 =	sshrl.u32 s6, $0x3  }
0x12: {  	[dreg:$0x6] =	wrdreg s0;
	s0 =	sadd.s32 s21, s2;
	s25 =	sadd.s32 $0x27000, s7  }
0x13: {  	s21 =	simm.s32 $0x5;
	[dreg:$0x3] =	wrdreg s8;
	s8 =	sor.u32 $0x1C05, s17  }
0x14: {  	s11 =	sadd.s32 s5, s6;
	[dreg:$0x9] =	wrdreg s25;
	s26 =	sadd.s32 $0xF0, s0  }
0x15: {  	s18 =	sadd.s32 $0xA0, s0;
	s0 =	simm.s32 $0x4;
	s25 =	simm.s32 $0x0  }
0x16: {  	s6 =	sadd.s32 $0xA, s11;
	s16 =	sadd.s32 $0x4D8, s11;
	s2 =	sshrl.u32 s26, $0x3  }
0x17: {  	s26 =	simm.s32 $0x1A200;
	[dreg:$0x7] =	wrdreg s6;
	s6 =	sshrl.u32 s22, $0x3  }
0x18: {  	s17 =	sadd.s32 s2, s5;
	s22 =	simm.s32 $0x1;
	s24 =	sadd.s32 s12, s6  }
0x19: {  	s2 =	simm.s32 $0x17700;
	[dreg:$0x8] =	wrdreg s24;
	s24 =	simm.s32 $0x17A00  }
.LBB2_1:
0x1a: {  	s6 =	rddreg [dreg:$0x3]  }
0x1b: {  	s7 =	rddreg [dreg:$0x4]  }
0x1c: {  	[tilespmem:s19], [sflag:$0x1] =	stream.linear.gather [hbm4b:s6+s3], $0x3E80, $0x38;
	[tilespmem:$0x1CA00] =	vst v63  }
0x1d: {  	[spmem:s20], [sflag:s8] =	dma.local [hbm:s7], $0x2700  }
0x1e: {  	_ =	swait.ge [sflag:s21], $0x2700  }
0x1f: {  	[sflag:s21] =	ssyncset.done $0x0;
	s6 =	rddreg [dreg:$0x5]  }
0x20: {  	s7 =	rddreg [dreg:$0x6];
	[sflag:s21] =	ssyncadd.s32 $0xFFFFD900;
	s6 =	sshrl.u32 @!p0 s6, $0x3  }
0x21: {  	[spmem:s6], [sflag:s8] =	dma.local @!p0 [hbm:s7], $0x100  }
0x22: {  	s7 =	simm.s32 @!p0 $0x5  }
0x23: {  	_ =	swait.ge @!p0 [sflag:s7], $0x100  }
0x24: {  	[sflag:s7] =	ssyncset.done @!p0 $0x0  }
0x25: {  	[sflag:s7] =	ssyncadd.s32 @!p0 $0xFFFFFF00  }
0x26: {  	_ =	swait.ge [sflag:s22], $0x3E80  }
0x27: {  	[sflag:s22] =	ssyncset.done $0x0  }
0x28: {  	[sflag:s22] =	ssyncadd.s32 $0xFFFFC180  }
0x29: {  	[bflag:$0x0] =	sbarrier.arrive $0xFFFF  }
0x2a: {  	[tilespmem:s24], [sflag:$0x1] =	stream.indirect.gather [hbm4b:s4+s23], $0x80, s19, s23, $0xb8;
	[tilespmem:$0x1CA00] =	vst v63  }
0x2b: {  	s9 =	simm.s32 $0x13980  }
0x2c: {  	[tilespmem:s26], [sflag:$0x2] =	stream.indirect.gather [hbm4b:s4+s23], $0x80, s9, s23, $0xb8;
	[tilespmem:$0x1CA00] =	vst v63  }
0x2d: {  	_ = 	snop  }
0x2e: {  	[tilespmem:s28], [sflag:$0x3] =	stream.linear.gather [hbm4b:s11+s3], $0x50, $0x38;
	[tilespmem:$0x1CA00] =	vst v63  }
0x2f: {  	s10 =	rddreg [dreg:$0x7]  }
0x30: {  	[tilespmem:s29], [sflag:$0x4] =	stream.linear.gather [hbm4b:s10+s3], $0x50, $0x38;
	[tilespmem:$0x1CA00] =	vst v63  }
0x31: {  	_ =	swait.ge [sflag:s22], $0x2800  }
0x32: {  	[sflag:s22] =	ssyncset.done $0x0  }
0x33: {  	[sflag:s22] =	ssyncadd.s32 $0xFFFFD800  }
0x34: {  	_ =	swait.ge [sflag:s30], $0x50  }
0x35: {  	[sflag:s30] =	ssyncset.done $0x0  }
0x36: {  	[sflag:s30] =	ssyncadd.s32 $0xFFFFFFB0  }
0x37: {  	[spmem:s1] =	stream.indirect.scatter.add.f32 [tilespmem:s24], [sflag:$0x5], $0x80, s28, s23, $0xb8;
	[tilespmem:$0x1CA00] =	vst v63  }
0x38: {  	_ =	swait.ge [sflag:s21], $0x2800  }
0x39: {  	[sflag:s21] =	ssyncset.done $0x0  }
0x3a: {  	s12 =	simm.s32 $0x13A00;
	s9 =	sshrl.u32 s18, $0x3;
	[sflag:s21] =	ssyncadd.s32 $0xFFFFD800  }
0x3b: {  	[tilespmem:s24], [sflag:$0x1] =	stream.indirect.gather [hbm4b:s4+s23], $0x80, s12, s23, $0xb8;
	[tilespmem:$0x1CA00] =	vst v63  }
0x3c: {  	s13 =	sadd.s32 s5, s9  }
0x3d: {  	[tilespmem:s28], [sflag:$0x3] =	stream.linear.gather [hbm4b:s13+s3], $0x50, $0x38;
	[tilespmem:$0x1CA00] =	vst v63  }
0x3e: {  	_ =	swait.ge [sflag:s31], $0x2800  }
0x3f: {  	[sflag:s31] =	ssyncset.done $0x0  }
0x40: {  	[sflag:s31] =	ssyncadd.s32 $0xFFFFD800  }
0x41: {  	_ =	swait.ge [sflag:s0], $0x50  }
0x42: {  	[sflag:s0] =	ssyncset.done $0x0  }
0x43: {  	[sflag:s0] =	ssyncadd.s32 $0xFFFFFFB0  }
0x44: {  	[spmem:s1] =	stream.indirect.scatter.add.f32 [tilespmem:s26], [sflag:$0x5], $0x80, s29, s23, $0xb8;
	[tilespmem:$0x1CA00] =	vst v63  }
0x45: {  	s14 =	simm.s32 $0x13A80;
	_ =	swait.ge [sflag:s21], $0x2800  }
0x46: {  	s7 =	simm.s32 $0x14;
	s9 =	simm.s32 $0x13B80;
	[sflag:s21] =	ssyncset.done $0x0  }
0x47: {  	s10 =	sadd.s32 $0xA0, s18;
	s12 =	sadd.s32 $0x0, s17;
	[sflag:s21] =	ssyncadd.s32 $0xFFFFD800  }
0x48: {  	[tilespmem:s26], [sflag:$0x2] =	stream.indirect.gather [hbm4b:s4+s23], $0x80, s14, s23, $0xb8;
	[tilespmem:$0x1CA00] =	vst v63  }
.LBB2_2:
0x49: {  	[tilespmem:s29], [sflag:$0x4] =	stream.linear.gather [hbm4b:s12+s3], $0x50, $0x38;
	[tilespmem:$0x1CA00] =	vst v63  }
0x4a: {  	s12 =	smov.u32 s7  }
0x4b: {  	p1 =	sne.s32 s7, $0x4B0;
	s7 =	sadd.s32 $0x14, s7;
	_ =	swait.ge [sflag:s22], $0x2800  }
0x4c: {  	[sflag:s22] =	ssyncset.done $0x0  }
0x4d: {  	[sflag:s22] =	ssyncadd.s32 $0xFFFFD800  }
0x4e: {  	_ =	swait.ge [sflag:s30], $0x50  }
0x4f: {  	[sflag:s30] =	ssyncset.done $0x0  }
0x50: {  	[sflag:s30] =	ssyncadd.s32 $0xFFFFFFB0  }
0x51: {  	[spmem:s1] =	stream.indirect.scatter.add.f32 [tilespmem:s24], [sflag:$0x5], $0x80, s28, s23, $0xb8;
	[tilespmem:$0x1CA00] =	vst v63  }
0x52: {  	_ =	swait.ge [sflag:s21], $0x2800  }
0x53: {  	[sflag:s21] =	ssyncset.done $0x0  }
0x54: {  	s13 =	sadd.s32 $0xFFFFFF80, s9;
	s14 =	sshrl.u32 s10, $0x3;
	[sflag:s21] =	ssyncadd.s32 $0xFFFFD800  }
0x55: {  	[tilespmem:s24], [sflag:$0x1] =	stream.indirect.gather [hbm4b:s4+s23], $0x80, s13, s23, $0xb8;
	[tilespmem:$0x1CA00] =	vst v63  }
0x56: {  	s13 =	sadd.s32 s5, s14  }
0x57: {  	[tilespmem:s28], [sflag:$0x3] =	stream.linear.gather [hbm4b:s13+s3], $0x50, $0x38;
	[tilespmem:$0x1CA00] =	vst v63  }
0x58: {  	_ =	swait.ge [sflag:s31], $0x2800  }
0x59: {  	[sflag:s31] =	ssyncset.done $0x0  }
0x5a: {  	[sflag:s31] =	ssyncadd.s32 $0xFFFFD800  }
0x5b: {  	_ =	swait.ge [sflag:s0], $0x50  }
0x5c: {  	[sflag:s0] =	ssyncset.done $0x0  }
0x5d: {  	[sflag:s0] =	ssyncadd.s32 $0xFFFFFFB0  }
0x5e: {  	[spmem:s1] =	stream.indirect.scatter.add.f32 [tilespmem:s26], [sflag:$0x5], $0x80, s29, s23, $0xb8;
	[tilespmem:$0x1CA00] =	vst v63  }
.Ltmp0:
0x5f: {  	_ =	swait.ge [sflag:s21], $0x2800;
	(pc) =	sbr.rel @p1 .LBB2_2-.Ltmp0, $4  }
0x60: {  	[sflag:s21] =	ssyncset.done $0x0  }
0x61: {  	[sflag:s21] =	ssyncadd.s32 $0xFFFFD800  }
0x62: {  	[tilespmem:s26], [sflag:$0x2] =	stream.indirect.gather [hbm4b:s4+s23], $0x80, s9, s23, $0xb8;
	[tilespmem:$0x1CA00] =	vst v63  }
0x63: {  	s10 =	sadd.s32 $0xA0, s10;
	s12 =	sadd.s32 s12, s17;
	s9 =	sadd.s32 $0x100, s9  }
0x64: {  	[tilespmem:s29], [sflag:$0x4] =	stream.linear.gather [hbm4b:s12+s3], $0x50, $0x38;
	[tilespmem:$0x1CA00] =	vst v63  }
0x65: {  	_ =	swait.ge [sflag:s22], $0x2800  }
0x66: {  	[sflag:s22] =	ssyncset.done $0x0  }
0x67: {  	[sflag:s22] =	ssyncadd.s32 $0xFFFFD800  }
0x68: {  	_ =	swait.ge [sflag:s30], $0x50  }
0x69: {  	[sflag:s30] =	ssyncset.done $0x0  }
0x6a: {  	[sflag:s30] =	ssyncadd.s32 $0xFFFFFFB0  }
0x6b: {  	[spmem:s1] =	stream.indirect.scatter.add.f32 [tilespmem:s24], [sflag:$0x5], $0x80, s28, s23, $0xb8;
	[tilespmem:$0x1CA00] =	vst v63  }
0x6c: {  	_ =	swait.ge [sflag:s21], $0x2800  }
0x6d: {  	[sflag:s21] =	ssyncset.done $0x0  }
0x6e: {  	[sflag:s21] =	ssyncadd.s32 $0xFFFFD800  }
0x6f: {  	[tilespmem:s24], [sflag:$0x1] =	stream.indirect.gather [hbm4b:s4+s23], $0x80, s2, s23, $0xb8;
	[tilespmem:$0x1CA00] =	vst v63  }
0x70: {  	_ = 	snop  }
0x71: {  	[tilespmem:s28], [sflag:$0x3] =	stream.linear.gather [hbm4b:s16+s3], $0x50, $0x38;
	[tilespmem:$0x1CA00] =	vst v63  }
0x72: {  	_ =	swait.ge [sflag:s31], $0x2800  }
0x73: {  	[sflag:s31] =	ssyncset.done $0x0  }
0x74: {  	[sflag:s31] =	ssyncadd.s32 $0xFFFFD800  }
0x75: {  	_ =	swait.ge [sflag:s0], $0x50  }
0x76: {  	[sflag:s0] =	ssyncset.done $0x0  }
0x77: {  	[sflag:s0] =	ssyncadd.s32 $0xFFFFFFB0  }
0x78: {  	[spmem:s1] =	stream.indirect.scatter.add.f32 [tilespmem:s26], [sflag:$0x5], $0x80, s29, s23, $0xb8;
	[tilespmem:$0x1CA00] =	vst v63  }
0x79: {  	_ =	swait.ge [sflag:s21], $0x2800  }
0x7a: {  	[sflag:s21] =	ssyncset.done $0x0  }
0x7b: {  	[sflag:s21] =	ssyncadd.s32 $0xFFFFD800  }
0x7c: {  	[tilespmem:s26], [sflag:$0x2] =	stream.indirect.gather [hbm4b:s4+s23], $0x80, s2, s23, $0xb8;
	[tilespmem:$0x1CA00] =	vst v63  }
0x7d: {  	_ = 	snop  }
0x7e: {  	[tilespmem:s29], [sflag:$0x4] =	stream.linear.gather [hbm4b:s16+s3], $0x50, $0x38;
	[tilespmem:$0x1CA00] =	vst v63  }
0x7f: {  	_ =	swait.ge [sflag:s22], $0x2800  }
0x80: {  	[sflag:s22] =	ssyncset.done $0x0  }
0x81: {  	[sflag:s22] =	ssyncadd.s32 $0xFFFFD800  }
0x82: {  	_ =	swait.ge [sflag:s30], $0x50  }
0x83: {  	[sflag:s30] =	ssyncset.done $0x0  }
0x84: {  	[sflag:s30] =	ssyncadd.s32 $0xFFFFFFB0  }
0x85: {  	[spmem:s1] =	stream.indirect.scatter.add.f32 [tilespmem:s24], [sflag:$0x5], $0x80, s28, s23, $0xb8;
	[tilespmem:$0x1CA00] =	vst v63  }
0x86: {  	_ =	swait.ge [sflag:s21], $0x2800  }
0x87: {  	[sflag:s21] =	ssyncset.done $0x0  }
0x88: {  	[sflag:s21] =	ssyncadd.s32 $0xFFFFD800  }
0x89: {  	_ =	swait.ge [sflag:s31], $0x2800  }
0x8a: {  	[sflag:s31] =	ssyncset.done $0x0  }
0x8b: {  	[sflag:s31] =	ssyncadd.s32 $0xFFFFD800  }
0x8c: {  	_ =	swait.ge [sflag:s0], $0x50  }
0x8d: {  	[sflag:s0] =	ssyncset.done $0x0  }
0x8e: {  	[sflag:s0] =	ssyncadd.s32 $0xFFFFFFB0  }
0x8f: {  	[bflag:$0x0] =	sbarrier.arrive $0xFFFF  }
0x90: {  	s7 =	rddreg [dreg:$0x8]  }
0x91: {  	[hbm:s7], [sflag:s8] =	dma.local [spmem:s20], $0x2700  }
0x92: {  	_ =	swait.ge [sflag:s21], $0x2700  }
0x93: {  	s25 =	sadd.s32 $0x1, s25;
	[sflag:s21] =	ssyncset.done $0x0  }
0x94: {  	p1 =	sne.s32 s25, s15;
	s7 =	rddreg [dreg:$0x9];
	[sflag:s21] =	ssyncadd.s32 $0xFFFFD900  }
0x95: {  	[hbm:s7], [sflag:s8] =	dma.local @!p0 [spmem:s6], $0x100  }
.Ltmp1:
0x96: {  	_ = 	snop;
	(pc) =	sbr.rel @p1 .LBB2_1-.Ltmp1, $4  }
0x97: {  	s6 =	simm.s32 @!p0 $0x5  }
0x98: {  	_ =	swait.ge @!p0 [sflag:s6], $0x100  }
0x99: {  	[sflag:s6] =	ssyncset.done @!p0 $0x0  }
0x9a: {  	[sflag:s6] =	ssyncadd.s32 @!p0 $0xFFFFFF00  }
0x9b: {  	_ =	sfence.sel $0x180000  }
0x9c: {  	[bflag:$0x0] =	sbarrier.arrive $0xFFFF  }
0x9d: {  	_ =	strace $0x9000004A  }
0x9e: {  	s0 =	stileid.u32;
	[bflag:$0x2] =	sbarrier.arrive $0xFFFF  }
0x9f: {  	p0 =	sne.s32 s0, $0x0;
	s0 =	rddreg [dreg:$0x2]  }
0xa0: {  	s0 =	sadd.s32 @!p0 $0x100000, s0  }
0xa1: {  	[sflag:s0] =	ssyncadd.tile.s32 @!p0 $0x1;
	_ =	shalt  }
.Lfunc_end2:
_tile_overlayer_lowered:
.L_overlay_start_2:
0xa2: {  	(tag) =	ssettag $0x2  }
0xa3: {  	s0 =	rddreg [dreg:$0x0];
	s2 =	stileid.u32  }
0xa4: {  	s1 =	rddreg [dreg:$0x1];
	p0 =	sne.s32 s2, $0x0  }
0xa5: {  	s3 =	rddreg [dreg:$0x2];
	[bflag:$0x3] =	sbarrier.arrive $0xFFFF;
	s2 =	simm.s32 @!p0 $0x1C05  }
0xa6: {  	[timem:s3], [sflag:s2] =	dma.local @!p0 [hbm:s0], s1  }
0xa7: {  	s0 =	simm.s32 @!p0 $0x5  }
0xa8: {  	_ =	swait.ge @!p0 [sflag:s0], s1  }
0xa9: {  	s1 =	ssub.s32 @!p0 $0x0, s1;
	[sflag:s0] =	ssyncset.done @!p0 $0x0  }
0xaa: {  	[sflag:s0] =	ssyncadd.s32 @!p0 s1  }
0xab: {  	[bflag:$0x3] =	sbarrier.arrive $0xFFFF  }
0xac: {  	_ =	shalt  }

</sc_bundles>
